<compile_context>
chip_gen: v7x
topology: tpu7x:2x2x1
jax: 0.10.2.dev20260603
libtpu: 0.0.44.dev20260713+nightly
codegen_flags: <defaults>
</compile_context>

<pallas_src>
import jax
import jax.numpy as jnp
from jax import lax
from jax.experimental import pallas as pl
from jax.experimental.pallas import tpu as pltpu
from jax.experimental.pallas import tpu_sc as plsc

LANES = 16
ROW = 128
NUM_WORKERS = 32
CHUNK_S = 16


def kernel(x, pos_table):
    batch, seq_len, d = x.shape
    rows_per_s = d // ROW
    x2 = x.reshape(batch * seq_len * rows_per_s, ROW)
    pos2 = pos_table.reshape(pos_table.shape[0] * rows_per_s, ROW)
    s_per_worker = seq_len // NUM_WORKERS
    n_chunks = s_per_worker // CHUNK_S
    chunk_rows = CHUNK_S * rows_per_s
    batch_stride = seq_len * rows_per_s

    mesh = plsc.VectorSubcoreMesh(core_axis_name="c", subcore_axis_name="s")

    @pl.kernel(
        mesh=mesh,
        out_type=jax.ShapeDtypeStruct(x2.shape, x2.dtype),
        scratch_types=[
            pltpu.VMEM((chunk_rows, ROW), jnp.float32),
            pltpu.VMEM((chunk_rows, ROW), jnp.float32),
            pltpu.VMEM((chunk_rows, ROW), jnp.float32),
            pltpu.VMEM((chunk_rows, ROW), jnp.float32),
            pltpu.VMEM((chunk_rows, ROW), jnp.float32),
            pltpu.SemaphoreType.DMA,
            pltpu.SemaphoreType.DMA,
        ],
    )
    def sc_add(x_hbm, pos_hbm, out_hbm, pos_v, xb0, xb1, xb2, xb3,
               in_sem, out_sem):
        nc = 2
        wid = lax.axis_index("s") * nc + lax.axis_index("c")
        xbufs = (xb0, xb1, xb2, xb3)

        def chunk_body(c, carry):
            p0 = (wid * s_per_worker + c * CHUNK_S) * rows_per_s
            handles = [
                pltpu.async_copy(pos_hbm.at[pl.ds(p0, chunk_rows)], pos_v,
                                 in_sem)
            ]
            for b in range(batch):
                handles.append(pltpu.async_copy(
                    x_hbm.at[pl.ds(p0 + b * batch_stride, chunk_rows)],
                    xbufs[b], in_sem))
            for h in handles:
                h.wait()

            def add_body(j, carry2):
                for u in range(ROW // LANES):
                    col = pl.ds(u * LANES, LANES)
                    p = pos_v[j, col]
                    for b in range(batch):
                        xbufs[b][j, col] = xbufs[b][j, col] + p
                return carry2

            lax.fori_loop(0, chunk_rows, add_body, 0)
            whandles = []
            for b in range(batch):
                whandles.append(pltpu.async_copy(
                    xbufs[b],
                    out_hbm.at[pl.ds(p0 + b * batch_stride, chunk_rows)],
                    out_sem))
            for h in whandles:
                h.wait()
            return carry

        lax.fori_loop(0, n_chunks, chunk_body, 0)

    out2 = sc_add(x2, pos2)
    return out2.reshape(batch, seq_len, d)

# --- scband reference (transcript-rebuilt; emitter-appended) ---
"""Pipeline reference for scband-positional-encoding-53060025975482 (READ-ONLY COPY).

The authoritative reference and input builder live on the scoring server;
editing this copy changes nothing except your own understanding.
"""

import jax, jax.numpy as jnp
import numpy as np

D_MODEL = 1024
MAX_LEN = 8192

def setup_inputs(seed: int = 0) -> dict:
    key = jax.random.key(seed)
    kx, kw = jax.random.split(key)
    x = jax.random.normal(kx, (4, 4096, D_MODEL), dtype=jnp.float32)
    pos_table = jax.random.normal(kw, (MAX_LEN, D_MODEL), dtype=jnp.float32) * 0.02
    return {"x": x, "pos_table": pos_table}

def reference(x, pos_table):
    seq_len = x.shape[1]
    positions = jnp.arange(seq_len, dtype=jnp.int32)[None, :]  # [1, S]
    position_embeddings = jnp.take(pos_table, positions, axis=0)  # [1, S, D]
    return x + position_embeddings

if __name__ == "__main__":
    import jax
    _d = setup_inputs()
    print(jax.jit(kernel)(*tuple(_d.values())))

</pallas_src>

<mosaic_0001>
#map = affine_map<(d0, d1) -> (0, 0)>
module attributes {stable_mosaic.version = 14 : i64} {
  func.func @sc_add(%arg0: i32, %arg1: i32, %arg2: memref<131072x128xf32, #tpu.memory_space<hbm>>, %arg3: memref<65536x128xf32, #tpu.memory_space<hbm>>, %arg4: memref<131072x128xf32, #tpu.memory_space<hbm>>, %arg5: memref<128x128xf32, #tpu.memory_space<vmem>>, %arg6: memref<128x128xf32, #tpu.memory_space<vmem>>, %arg7: memref<128x128xf32, #tpu.memory_space<vmem>>, %arg8: memref<128x128xf32, #tpu.memory_space<vmem>>, %arg9: memref<128x128xf32, #tpu.memory_space<vmem>>, %arg10: memref<!tpu.dma_semaphore, #tpu.memory_space<semaphore_mem>>, %arg11: memref<!tpu.dma_semaphore, #tpu.memory_space<semaphore_mem>>) attributes {dimension_semantics = [#tpu.dimension_semantics<core_parallel>, #tpu.dimension_semantics<subcore_parallel>], iteration_bounds = array<i64: 2, 16>, scalar_prefetch = 0 : i64, scratch_operands = 7 : i64, tpu.core_type = #tpu.core_type<sc_vector_subcore>, window_params = [{transform_indices = #map}, {transform_indices = #map}, {transform_indices = #map}]} {
    %mul3A = arith.constant 2 : i32
    %mul3A_0 = arith.muli %arg1, %mul3A : i32
    %add3A = arith.addi %mul3A_0, %arg0 : i32
    %scan3A = arith.constant 0 : i32
    %scan3A_1 = arith.constant 0 : i32
    %scan3A_2 = arith.constant 8 : i32
    %scan3A_3 = arith.addi %scan3A_1, %scan3A_2 : i32
    %scan3A_4 = arith.constant 1 : i32
    scf.for %scan3A_6 = %scan3A_1 to %scan3A_3 step %scan3A_4  : i32 {
      %mul3A_7 = arith.constant 128 : i32
      %mul3A_8 = arith.muli %add3A, %mul3A_7 : i32
      %mul3A_9 = arith.constant 16 : i32
      %mul3A_10 = arith.muli %scan3A_6, %mul3A_9 : i32
      %add3A_11 = arith.addi %mul3A_8, %mul3A_10 : i32
      %mul3A_12 = arith.constant 8 : i32
      %mul3A_13 = arith.muli %add3A_11, %mul3A_12 : i32
      %dma_start3A = arith.constant 0 : i32
      %dma_start3A_14 = tpu.memref_slice %arg3[%mul3A_13, %dma_start3A] : memref<65536x128xf32, #tpu.memory_space<hbm>> -> memref<128x128xf32, #tpu.memory_space<hbm>>
      %dma_start3A_15 = arith.constant 0 : i32
      %dma_start3A_16 = tpu.memref_slice %arg3[%mul3A_13, %dma_start3A_15] : memref<65536x128xf32, #tpu.memory_space<hbm>> -> memref<128x128xf32, #tpu.memory_space<hbm>>
      tpu.enqueue_dma source(%dma_start3A_16 : memref<128x128xf32, #tpu.memory_space<hbm>>) target(%arg5 : memref<128x128xf32, #tpu.memory_space<vmem>>) target_semaphore(%arg10 : memref<!tpu.dma_semaphore, #tpu.memory_space<semaphore_mem>>)
      %add3A_17 = arith.constant 0 : i32
      %add3A_18 = arith.addi %mul3A_13, %add3A_17 : i32
      %dma_start3A_19 = arith.constant 0 : i32
      %dma_start3A_20 = tpu.memref_slice %arg2[%add3A_18, %dma_start3A_19] : memref<131072x128xf32, #tpu.memory_space<hbm>> -> memref<128x128xf32, #tpu.memory_space<hbm>>
      %dma_start3A_21 = arith.constant 0 : i32
      %dma_start3A_22 = tpu.memref_slice %arg2[%add3A_18, %dma_start3A_21] : memref<131072x128xf32, #tpu.memory_space<hbm>> -> memref<128x128xf32, #tpu.memory_space<hbm>>
      tpu.enqueue_dma source(%dma_start3A_22 : memref<128x128xf32, #tpu.memory_space<hbm>>) target(%arg6 : memref<128x128xf32, #tpu.memory_space<vmem>>) target_semaphore(%arg10 : memref<!tpu.dma_semaphore, #tpu.memory_space<semaphore_mem>>)
      %add3A_23 = arith.constant 32768 : i32
      %add3A_24 = arith.addi %mul3A_13, %add3A_23 : i32
      %dma_start3A_25 = arith.constant 0 : i32
      %dma_start3A_26 = tpu.memref_slice %arg2[%add3A_24, %dma_start3A_25] : memref<131072x128xf32, #tpu.memory_space<hbm>> -> memref<128x128xf32, #tpu.memory_space<hbm>>
      %dma_start3A_27 = arith.constant 0 : i32
      %dma_start3A_28 = tpu.memref_slice %arg2[%add3A_24, %dma_start3A_27] : memref<131072x128xf32, #tpu.memory_space<hbm>> -> memref<128x128xf32, #tpu.memory_space<hbm>>
      tpu.enqueue_dma source(%dma_start3A_28 : memref<128x128xf32, #tpu.memory_space<hbm>>) target(%arg7 : memref<128x128xf32, #tpu.memory_space<vmem>>) target_semaphore(%arg10 : memref<!tpu.dma_semaphore, #tpu.memory_space<semaphore_mem>>)
      %add3A_29 = arith.constant 65536 : i32
      %add3A_30 = arith.addi %mul3A_13, %add3A_29 : i32
      %dma_start3A_31 = arith.constant 0 : i32
      %dma_start3A_32 = tpu.memref_slice %arg2[%add3A_30, %dma_start3A_31] : memref<131072x128xf32, #tpu.memory_space<hbm>> -> memref<128x128xf32, #tpu.memory_space<hbm>>
      %dma_start3A_33 = arith.constant 0 : i32
      %dma_start3A_34 = tpu.memref_slice %arg2[%add3A_30, %dma_start3A_33] : memref<131072x128xf32, #tpu.memory_space<hbm>> -> memref<128x128xf32, #tpu.memory_space<hbm>>
      tpu.enqueue_dma source(%dma_start3A_34 : memref<128x128xf32, #tpu.memory_space<hbm>>) target(%arg8 : memref<128x128xf32, #tpu.memory_space<vmem>>) target_semaphore(%arg10 : memref<!tpu.dma_semaphore, #tpu.memory_space<semaphore_mem>>)
      %add3A_35 = arith.constant 98304 : i32
      %add3A_36 = arith.addi %mul3A_13, %add3A_35 : i32
      %dma_start3A_37 = arith.constant 0 : i32
      %dma_start3A_38 = tpu.memref_slice %arg2[%add3A_36, %dma_start3A_37] : memref<131072x128xf32, #tpu.memory_space<hbm>> -> memref<128x128xf32, #tpu.memory_space<hbm>>
      %dma_start3A_39 = arith.constant 0 : i32
      %dma_start3A_40 = tpu.memref_slice %arg2[%add3A_36, %dma_start3A_39] : memref<131072x128xf32, #tpu.memory_space<hbm>> -> memref<128x128xf32, #tpu.memory_space<hbm>>
      tpu.enqueue_dma source(%dma_start3A_40 : memref<128x128xf32, #tpu.memory_space<hbm>>) target(%arg9 : memref<128x128xf32, #tpu.memory_space<vmem>>) target_semaphore(%arg10 : memref<!tpu.dma_semaphore, #tpu.memory_space<semaphore_mem>>)
      %dma_wait3A = arith.constant 0 : i32
      %dma_wait3A_41 = tpu.memref_slice %arg3[%mul3A_13, %dma_wait3A] : memref<65536x128xf32, #tpu.memory_space<hbm>> -> memref<128x128xf32, #tpu.memory_space<hbm>>
      %dma_wait3A_42 = arith.constant 0 : i32
      %dma_wait3A_43 = tpu.memref_slice %arg3[%mul3A_13, %dma_wait3A_42] : memref<65536x128xf32, #tpu.memory_space<hbm>> -> memref<128x128xf32, #tpu.memory_space<hbm>>
      tpu.wait_dma2 semaphore(%arg10 : memref<!tpu.dma_semaphore, #tpu.memory_space<semaphore_mem>>) src(%dma_wait3A_43 : memref<128x128xf32, #tpu.memory_space<hbm>>) dst(%arg5 : memref<128x128xf32, #tpu.memory_space<vmem>>)
      %dma_wait3A_44 = arith.constant 0 : i32
      %dma_wait3A_45 = tpu.memref_slice %arg2[%add3A_18, %dma_wait3A_44] : memref<131072x128xf32, #tpu.memory_space<hbm>> -> memref<128x128xf32, #tpu.memory_space<hbm>>
      %dma_wait3A_46 = arith.constant 0 : i32
      %dma_wait3A_47 = tpu.memref_slice %arg2[%add3A_18, %dma_wait3A_46] : memref<131072x128xf32, #tpu.memory_space<hbm>> -> memref<128x128xf32, #tpu.memory_space<hbm>>
      tpu.wait_dma2 semaphore(%arg10 : memref<!tpu.dma_semaphore, #tpu.memory_space<semaphore_mem>>) src(%dma_wait3A_47 : memref<128x128xf32, #tpu.memory_space<hbm>>) dst(%arg6 : memref<128x128xf32, #tpu.memory_space<vmem>>)
      %dma_wait3A_48 = arith.constant 0 : i32
      %dma_wait3A_49 = tpu.memref_slice %arg2[%add3A_24, %dma_wait3A_48] : memref<131072x128xf32, #tpu.memory_space<hbm>> -> memref<128x128xf32, #tpu.memory_space<hbm>>
      %dma_wait3A_50 = arith.constant 0 : i32
      %dma_wait3A_51 = tpu.memref_slice %arg2[%add3A_24, %dma_wait3A_50] : memref<131072x128xf32, #tpu.memory_space<hbm>> -> memref<128x128xf32, #tpu.memory_space<hbm>>
      tpu.wait_dma2 semaphore(%arg10 : memref<!tpu.dma_semaphore, #tpu.memory_space<semaphore_mem>>) src(%dma_wait3A_51 : memref<128x128xf32, #tpu.memory_space<hbm>>) dst(%arg7 : memref<128x128xf32, #tpu.memory_space<vmem>>)
      %dma_wait3A_52 = arith.constant 0 : i32
      %dma_wait3A_53 = tpu.memref_slice %arg2[%add3A_30, %dma_wait3A_52] : memref<131072x128xf32, #tpu.memory_space<hbm>> -> memref<128x128xf32, #tpu.memory_space<hbm>>
      %dma_wait3A_54 = arith.constant 0 : i32
      %dma_wait3A_55 = tpu.memref_slice %arg2[%add3A_30, %dma_wait3A_54] : memref<131072x128xf32, #tpu.memory_space<hbm>> -> memref<128x128xf32, #tpu.memory_space<hbm>>
      tpu.wait_dma2 semaphore(%arg10 : memref<!tpu.dma_semaphore, #tpu.memory_space<semaphore_mem>>) src(%dma_wait3A_55 : memref<128x128xf32, #tpu.memory_space<hbm>>) dst(%arg8 : memref<128x128xf32, #tpu.memory_space<vmem>>)
      %dma_wait3A_56 = arith.constant 0 : i32
      %dma_wait3A_57 = tpu.memref_slice %arg2[%add3A_36, %dma_wait3A_56] : memref<131072x128xf32, #tpu.memory_space<hbm>> -> memref<128x128xf32, #tpu.memory_space<hbm>>
      %dma_wait3A_58 = arith.constant 0 : i32
      %dma_wait3A_59 = tpu.memref_slice %arg2[%add3A_36, %dma_wait3A_58] : memref<131072x128xf32, #tpu.memory_space<hbm>> -> memref<128x128xf32, #tpu.memory_space<hbm>>
      tpu.wait_dma2 semaphore(%arg10 : memref<!tpu.dma_semaphore, #tpu.memory_space<semaphore_mem>>) src(%dma_wait3A_59 : memref<128x128xf32, #tpu.memory_space<hbm>>) dst(%arg9 : memref<128x128xf32, #tpu.memory_space<vmem>>)
      %scan3A_60 = arith.constant 0 : i32
      %scan3A_61 = arith.constant 0 : i32
      %scan3A_62 = arith.constant 128 : i32
      %scan3A_63 = arith.addi %scan3A_61, %scan3A_62 : i32
      %scan3A_64 = arith.constant 1 : i32
      scf.for %scan3A_106 = %scan3A_61 to %scan3A_63 step %scan3A_64  : i32 {
        %get3A = arith.index_cast %scan3A_106 : i32 to index
        %get3A_107 = arith.constant 0 : index
        %get3A_108 = tpu.vector_load %arg5[%get3A, %get3A_107] {strides = array<i32>} : memref<128x128xf32, #tpu.memory_space<vmem>>, vector<1x16xf32>,
        %get3A_109 = vector.shape_cast %get3A_108 : vector<1x16xf32> to vector<16xf32>
        %get3A_110 = arith.index_cast %scan3A_106 : i32 to index
        %get3A_111 = arith.constant 0 : index
        %get3A_112 = tpu.vector_load %arg6[%get3A_110, %get3A_111] {strides = array<i32>} : memref<128x128xf32, #tpu.memory_space<vmem>>, vector<1x16xf32>,
        %get3A_113 = vector.shape_cast %get3A_112 : vector<1x16xf32> to vector<16xf32>
        %add3A_114 = arith.addf %get3A_113, %get3A_109 : vector<16xf32>
        %swap3A = arith.index_cast %scan3A_106 : i32 to index
        %swap3A_115 = arith.constant 0 : index
        %swap3A_116 = tpu.vector_load %arg6[%swap3A, %swap3A_115] {strides = array<i32>} : memref<128x128xf32, #tpu.memory_space<vmem>>, vector<1x16xf32>,
        %swap3A_117 = vector.shape_cast %swap3A_116 : vector<1x16xf32> to vector<16xf32>
        %swap3A_118 = vector.shape_cast %add3A_114 : vector<16xf32> to vector<1x16xf32>
        tpu.vector_store %arg6[%swap3A, %swap3A_115], %swap3A_118 {strides = array<i32>} : memref<128x128xf32, #tpu.memory_space<vmem>>, vector<1x16xf32>,
        %get3A_119 = arith.index_cast %scan3A_106 : i32 to index
        %get3A_120 = arith.constant 0 : index
        %get3A_121 = tpu.vector_load %arg7[%get3A_119, %get3A_120] {strides = array<i32>} : memref<128x128xf32, #tpu.memory_space<vmem>>, vector<1x16xf32>,
        %get3A_122 = vector.shape_cast %get3A_121 : vector<1x16xf32> to vector<16xf32>
        %add3A_123 = arith.addf %get3A_122, %get3A_109 : vector<16xf32>
        %swap3A_124 = arith.index_cast %scan3A_106 : i32 to index
        %swap3A_125 = arith.constant 0 : index
        %swap3A_126 = tpu.vector_load %arg7[%swap3A_124, %swap3A_125] {strides = array<i32>} : memref<128x128xf32, #tpu.memory_space<vmem>>, vector<1x16xf32>,
        %swap3A_127 = vector.shape_cast %swap3A_126 : vector<1x16xf32> to vector<16xf32>
        %swap3A_128 = vector.shape_cast %add3A_123 : vector<16xf32> to vector<1x16xf32>
        tpu.vector_store %arg7[%swap3A_124, %swap3A_125], %swap3A_128 {strides = array<i32>} : memref<128x128xf32, #tpu.memory_space<vmem>>, vector<1x16xf32>,
        %get3A_129 = arith.index_cast %scan3A_106 : i32 to index
        %get3A_130 = arith.constant 0 : index
        %get3A_131 = tpu.vector_load %arg8[%get3A_129, %get3A_130] {strides = array<i32>} : memref<128x128xf32, #tpu.memory_space<vmem>>, vector<1x16xf32>,
        %get3A_132 = vector.shape_cast %get3A_131 : vector<1x16xf32> to vector<16xf32>
        %add3A_133 = arith.addf %get3A_132, %get3A_109 : vector<16xf32>
        %swap3A_134 = arith.index_cast %scan3A_106 : i32 to index
        %swap3A_135 = arith.constant 0 : index
        %swap3A_136 = tpu.vector_load %arg8[%swap3A_134, %swap3A_135] {strides = array<i32>} : memref<128x128xf32, #tpu.memory_space<vmem>>, vector<1x16xf32>,
        %swap3A_137 = vector.shape_cast %swap3A_136 : vector<1x16xf32> to vector<16xf32>
        %swap3A_138 = vector.shape_cast %add3A_133 : vector<16xf32> to vector<1x16xf32>
        tpu.vector_store %arg8[%swap3A_134, %swap3A_135], %swap3A_138 {strides = array<i32>} : memref<128x128xf32, #tpu.memory_space<vmem>>, vector<1x16xf32>,
        %get3A_139 = arith.index_cast %scan3A_106 : i32 to index
        %get3A_140 = arith.constant 0 : index
        %get3A_141 = tpu.vector_load %arg9[%get3A_139, %get3A_140] {strides = array<i32>} : memref<128x128xf32, #tpu.memory_space<vmem>>, vector<1x16xf32>,
        %get3A_142 = vector.shape_cast %get3A_141 : vector<1x16xf32> to vector<16xf32>
        %add3A_143 = arith.addf %get3A_142, %get3A_109 : vector<16xf32>
        %swap3A_144 = arith.index_cast %scan3A_106 : i32 to index
        %swap3A_145 = arith.constant 0 : index
        %swap3A_146 = tpu.vector_load %arg9[%swap3A_144, %swap3A_145] {strides = array<i32>} : memref<128x128xf32, #tpu.memory_space<vmem>>, vector<1x16xf32>,
        %swap3A_147 = vector.shape_cast %swap3A_146 : vector<1x16xf32> to vector<16xf32>
        %swap3A_148 = vector.shape_cast %add3A_143 : vector<16xf32> to vector<1x16xf32>
        tpu.vector_store %arg9[%swap3A_144, %swap3A_145], %swap3A_148 {strides = array<i32>} : memref<128x128xf32, #tpu.memory_space<vmem>>, vector<1x16xf32>,
        %get3A_149 = arith.index_cast %scan3A_106 : i32 to index
        %get3A_150 = arith.constant 16 : index
        %get3A_151 = tpu.vector_load %arg5[%get3A_149, %get3A_150] {strides = array<i32>} : memref<128x128xf32, #tpu.memory_space<vmem>>, vector<1x16xf32>,
        %get3A_152 = vector.shape_cast %get3A_151 : vector<1x16xf32> to vector<16xf32>
        %get3A_153 = arith.index_cast %scan3A_106 : i32 to index
        %get3A_154 = arith.constant 16 : index
        %get3A_155 = tpu.vector_load %arg6[%get3A_153, %get3A_154] {strides = array<i32>} : memref<128x128xf32, #tpu.memory_space<vmem>>, vector<1x16xf32>,
        %get3A_156 = vector.shape_cast %get3A_155 : vector<1x16xf32> to vector<16xf32>
        %add3A_157 = arith.addf %get3A_156, %get3A_152 : vector<16xf32>
        %swap3A_158 = arith.index_cast %scan3A_106 : i32 to index
        %swap3A_159 = arith.constant 16 : index
        %swap3A_160 = tpu.vector_load %arg6[%swap3A_158, %swap3A_159] {strides = array<i32>} : memref<128x128xf32, #tpu.memory_space<vmem>>, vector<1x16xf32>,
        %swap3A_161 = vector.shape_cast %swap3A_160 : vector<1x16xf32> to vector<16xf32>
        %swap3A_162 = vector.shape_cast %add3A_157 : vector<16xf32> to vector<1x16xf32>
        tpu.vector_store %arg6[%swap3A_158, %swap3A_159], %swap3A_162 {strides = array<i32>} : memref<128x128xf32, #tpu.memory_space<vmem>>, vector<1x16xf32>,
        %get3A_163 = arith.index_cast %scan3A_106 : i32 to index
        %get3A_164 = arith.constant 16 : index
        %get3A_165 = tpu.vector_load %arg7[%get3A_163, %get3A_164] {strides = array<i32>} : memref<128x128xf32, #tpu.memory_space<vmem>>, vector<1x16xf32>,
        %get3A_166 = vector.shape_cast %get3A_165 : vector<1x16xf32> to vector<16xf32>
        %add3A_167 = arith.addf %get3A_166, %get3A_152 : vector<16xf32>
        %swap3A_168 = arith.index_cast %scan3A_106 : i32 to index
        %swap3A_169 = arith.constant 16 : index
        %swap3A_170 = tpu.vector_load %arg7[%swap3A_168, %swap3A_169] {strides = array<i32>} : memref<128x128xf32, #tpu.memory_space<vmem>>, vector<1x16xf32>,
        %swap3A_171 = vector.shape_cast %swap3A_170 : vector<1x16xf32> to vector<16xf32>
        %swap3A_172 = vector.shape_cast %add3A_167 : vector<16xf32> to vector<1x16xf32>
        tpu.vector_store %arg7[%swap3A_168, %swap3A_169], %swap3A_172 {strides = array<i32>} : memref<128x128xf32, #tpu.memory_space<vmem>>, vector<1x16xf32>,
        %get3A_173 = arith.index_cast %scan3A_106 : i32 to index
        %get3A_174 = arith.constant 16 : index
        %get3A_175 = tpu.vector_load %arg8[%get3A_173, %get3A_174] {strides = array<i32>} : memref<128x128xf32, #tpu.memory_space<vmem>>, vector<1x16xf32>,
        %get3A_176 = vector.shape_cast %get3A_175 : vector<1x16xf32> to vector<16xf32>
        %add3A_177 = arith.addf %get3A_176, %get3A_152 : vector<16xf32>
        %swap3A_178 = arith.index_cast %scan3A_106 : i32 to index
        %swap3A_179 = arith.constant 16 : index
        %swap3A_180 = tpu.vector_load %arg8[%swap3A_178, %swap3A_179] {strides = array<i32>} : memref<128x128xf32, #tpu.memory_space<vmem>>, vector<1x16xf32>,
        %swap3A_181 = vector.shape_cast %swap3A_180 : vector<1x16xf32> to vector<16xf32>
        %swap3A_182 = vector.shape_cast %add3A_177 : vector<16xf32> to vector<1x16xf32>
        tpu.vector_store %arg8[%swap3A_178, %swap3A_179], %swap3A_182 {strides = array<i32>} : memref<128x128xf32, #tpu.memory_space<vmem>>, vector<1x16xf32>,
        %get3A_183 = arith.index_cast %scan3A_106 : i32 to index
        %get3A_184 = arith.constant 16 : index
        %get3A_185 = tpu.vector_load %arg9[%get3A_183, %get3A_184] {strides = array<i32>} : memref<128x128xf32, #tpu.memory_space<vmem>>, vector<1x16xf32>,
        %get3A_186 = vector.shape_cast %get3A_185 : vector<1x16xf32> to vector<16xf32>
        %add3A_187 = arith.addf %get3A_186, %get3A_152 : vector<16xf32>
        %swap3A_188 = arith.index_cast %scan3A_106 : i32 to index
        %swap3A_189 = arith.constant 16 : index
        %swap3A_190 = tpu.vector_load %arg9[%swap3A_188, %swap3A_189] {strides = array<i32>} : memref<128x128xf32, #tpu.memory_space<vmem>>, vector<1x16xf32>,
        %swap3A_191 = vector.shape_cast %swap3A_190 : vector<1x16xf32> to vector<16xf32>
        %swap3A_192 = vector.shape_cast %add3A_187 : vector<16xf32> to vector<1x16xf32>
        tpu.vector_store %arg9[%swap3A_188, %swap3A_189], %swap3A_192 {strides = array<i32>} : memref<128x128xf32, #tpu.memory_space<vmem>>, vector<1x16xf32>,
        %get3A_193 = arith.index_cast %scan3A_106 : i32 to index
        %get3A_194 = arith.constant 32 : index
        %get3A_195 = tpu.vector_load %arg5[%get3A_193, %get3A_194] {strides = array<i32>} : memref<128x128xf32, #tpu.memory_space<vmem>>, vector<1x16xf32>,
        %get3A_196 = vector.shape_cast %get3A_195 : vector<1x16xf32> to vector<16xf32>
        %get3A_197 = arith.index_cast %scan3A_106 : i32 to index
        %get3A_198 = arith.constant 32 : index
        %get3A_199 = tpu.vector_load %arg6[%get3A_197, %get3A_198] {strides = array<i32>} : memref<128x128xf32, #tpu.memory_space<vmem>>, vector<1x16xf32>,
        %get3A_200 = vector.shape_cast %get3A_199 : vector<1x16xf32> to vector<16xf32>
        %add3A_201 = arith.addf %get3A_200, %get3A_196 : vector<16xf32>
        %swap3A_202 = arith.index_cast %scan3A_106 : i32 to index
        %swap3A_203 = arith.constant 32 : index
        %swap3A_204 = tpu.vector_load %arg6[%swap3A_202, %swap3A_203] {strides = array<i32>} : memref<128x128xf32, #tpu.memory_space<vmem>>, vector<1x16xf32>,
        %swap3A_205 = vector.shape_cast %swap3A_204 : vector<1x16xf32> to vector<16xf32>
        %swap3A_206 = vector.shape_cast %add3A_201 : vector<16xf32> to vector<1x16xf32>
        tpu.vector_store %arg6[%swap3A_202, %swap3A_203], %swap3A_206 {strides = array<i32>} : memref<128x128xf32, #tpu.memory_space<vmem>>, vector<1x16xf32>,
        %get3A_207 = arith.index_cast %scan3A_106 : i32 to index
        %get3A_208 = arith.constant 32 : index
        %get3A_209 = tpu.vector_load %arg7[%get3A_207, %get3A_208] {strides = array<i32>} : memref<128x128xf32, #tpu.memory_space<vmem>>, vector<1x16xf32>,
        %get3A_210 = vector.shape_cast %get3A_209 : vector<1x16xf32> to vector<16xf32>
        %add3A_211 = arith.addf %get3A_210, %get3A_196 : vector<16xf32>
        %swap3A_212 = arith.index_cast %scan3A_106 : i32 to index
        %swap3A_213 = arith.constant 32 : index
        %swap3A_214 = tpu.vector_load %arg7[%swap3A_212, %swap3A_213] {strides = array<i32>} : memref<128x128xf32, #tpu.memory_space<vmem>>, vector<1x16xf32>,
        %swap3A_215 = vector.shape_cast %swap3A_214 : vector<1x16xf32> to vector<16xf32>
        %swap3A_216 = vector.shape_cast %add3A_211 : vector<16xf32> to vector<1x16xf32>
        tpu.vector_store %arg7[%swap3A_212, %swap3A_213], %swap3A_216 {strides = array<i32>} : memref<128x128xf32, #tpu.memory_space<vmem>>, vector<1x16xf32>,
        %get3A_217 = arith.index_cast %scan3A_106 : i32 to index
        %get3A_218 = arith.constant 32 : index
        %get3A_219 = tpu.vector_load %arg8[%get3A_217, %get3A_218] {strides = array<i32>} : memref<128x128xf32, #tpu.memory_space<vmem>>, vector<1x16xf32>,
        %get3A_220 = vector.shape_cast %get3A_219 : vector<1x16xf32> to vector<16xf32>
        %add3A_221 = arith.addf %get3A_220, %get3A_196 : vector<16xf32>
        %swap3A_222 = arith.index_cast %scan3A_106 : i32 to index
        %swap3A_223 = arith.constant 32 : index
        %swap3A_224 = tpu.vector_load %arg8[%swap3A_222, %swap3A_223] {strides = array<i32>} : memref<128x128xf32, #tpu.memory_space<vmem>>, vector<1x16xf32>,
        %swap3A_225 = vector.shape_cast %swap3A_224 : vector<1x16xf32> to vector<16xf32>
        %swap3A_226 = vector.shape_cast %add3A_221 : vector<16xf32> to vector<1x16xf32>
        tpu.vector_store %arg8[%swap3A_222, %swap3A_223], %swap3A_226 {strides = array<i32>} : memref<128x128xf32, #tpu.memory_space<vmem>>, vector<1x16xf32>,
        %get3A_227 = arith.index_cast %scan3A_106 : i32 to index
        %get3A_228 = arith.constant 32 : index
        %get3A_229 = tpu.vector_load %arg9[%get3A_227, %get3A_228] {strides = array<i32>} : memref<128x128xf32, #tpu.memory_space<vmem>>, vector<1x16xf32>,
        %get3A_230 = vector.shape_cast %get3A_229 : vector<1x16xf32> to vector<16xf32>
        %add3A_231 = arith.addf %get3A_230, %get3A_196 : vector<16xf32>
        %swap3A_232 = arith.index_cast %scan3A_106 : i32 to index
        %swap3A_233 = arith.constant 32 : index
        %swap3A_234 = tpu.vector_load %arg9[%swap3A_232, %swap3A_233] {strides = array<i32>} : memref<128x128xf32, #tpu.memory_space<vmem>>, vector<1x16xf32>,
        %swap3A_235 = vector.shape_cast %swap3A_234 : vector<1x16xf32> to vector<16xf32>
        %swap3A_236 = vector.shape_cast %add3A_231 : vector<16xf32> to vector<1x16xf32>
        tpu.vector_store %arg9[%swap3A_232, %swap3A_233], %swap3A_236 {strides = array<i32>} : memref<128x128xf32, #tpu.memory_space<vmem>>, vector<1x16xf32>,
        %get3A_237 = arith.index_cast %scan3A_106 : i32 to index
        %get3A_238 = arith.constant 48 : index
        %get3A_239 = tpu.vector_load %arg5[%get3A_237, %get3A_238] {strides = array<i32>} : memref<128x128xf32, #tpu.memory_space<vmem>>, vector<1x16xf32>,
        %get3A_240 = vector.shape_cast %get3A_239 : vector<1x16xf32> to vector<16xf32>
        %get3A_241 = arith.index_cast %scan3A_106 : i32 to index
        %get3A_242 = arith.constant 48 : index
        %get3A_243 = tpu.vector_load %arg6[%get3A_241, %get3A_242] {strides = array<i32>} : memref<128x128xf32, #tpu.memory_space<vmem>>, vector<1x16xf32>,
        %get3A_244 = vector.shape_cast %get3A_243 : vector<1x16xf32> to vector<16xf32>
        %add3A_245 = arith.addf %get3A_244, %get3A_240 : vector<16xf32>
        %swap3A_246 = arith.index_cast %scan3A_106 : i32 to index
        %swap3A_247 = arith.constant 48 : index
        %swap3A_248 = tpu.vector_load %arg6[%swap3A_246, %swap3A_247] {strides = array<i32>} : memref<128x128xf32, #tpu.memory_space<vmem>>, vector<1x16xf32>,
        %swap3A_249 = vector.shape_cast %swap3A_248 : vector<1x16xf32> to vector<16xf32>
        %swap3A_250 = vector.shape_cast %add3A_245 : vector<16xf32> to vector<1x16xf32>
        tpu.vector_store %arg6[%swap3A_246, %swap3A_247], %swap3A_250 {strides = array<i32>} : memref<128x128xf32, #tpu.memory_space<vmem>>, vector<1x16xf32>,
        %get3A_251 = arith.index_cast %scan3A_106 : i32 to index
        %get3A_252 = arith.constant 48 : index
        %get3A_253 = tpu.vector_load %arg7[%get3A_251, %get3A_252] {strides = array<i32>} : memref<128x128xf32, #tpu.memory_space<vmem>>, vector<1x16xf32>,
        %get3A_254 = vector.shape_cast %get3A_253 : vector<1x16xf32> to vector<16xf32>
        %add3A_255 = arith.addf %get3A_254, %get3A_240 : vector<16xf32>
        %swap3A_256 = arith.index_cast %scan3A_106 : i32 to index
        %swap3A_257 = arith.constant 48 : index
        %swap3A_258 = tpu.vector_load %arg7[%swap3A_256, %swap3A_257] {strides = array<i32>} : memref<128x128xf32, #tpu.memory_space<vmem>>, vector<1x16xf32>,
        %swap3A_259 = vector.shape_cast %swap3A_258 : vector<1x16xf32> to vector<16xf32>
        %swap3A_260 = vector.shape_cast %add3A_255 : vector<16xf32> to vector<1x16xf32>
        tpu.vector_store %arg7[%swap3A_256, %swap3A_257], %swap3A_260 {strides = array<i32>} : memref<128x128xf32, #tpu.memory_space<vmem>>, vector<1x16xf32>,
        %get3A_261 = arith.index_cast %scan3A_106 : i32 to index
        %get3A_262 = arith.constant 48 : index
        %get3A_263 = tpu.vector_load %arg8[%get3A_261, %get3A_262] {strides = array<i32>} : memref<128x128xf32, #tpu.memory_space<vmem>>, vector<1x16xf32>,
        %get3A_264 = vector.shape_cast %get3A_263 : vector<1x16xf32> to vector<16xf32>
        %add3A_265 = arith.addf %get3A_264, %get3A_240 : vector<16xf32>
        %swap3A_266 = arith.index_cast %scan3A_106 : i32 to index
        %swap3A_267 = arith.constant 48 : index
        %swap3A_268 = tpu.vector_load %arg8[%swap3A_266, %swap3A_267] {strides = array<i32>} : memref<128x128xf32, #tpu.memory_space<vmem>>, vector<1x16xf32>,
        %swap3A_269 = vector.shape_cast %swap3A_268 : vector<1x16xf32> to vector<16xf32>
        %swap3A_270 = vector.shape_cast %add3A_265 : vector<16xf32> to vector<1x16xf32>
        tpu.vector_store %arg8[%swap3A_266, %swap3A_267], %swap3A_270 {strides = array<i32>} : memref<128x128xf32, #tpu.memory_space<vmem>>, vector<1x16xf32>,
        %get3A_271 = arith.index_cast %scan3A_106 : i32 to index
        %get3A_272 = arith.constant 48 : index
        %get3A_273 = tpu.vector_load %arg9[%get3A_271, %get3A_272] {strides = array<i32>} : memref<128x128xf32, #tpu.memory_space<vmem>>, vector<1x16xf32>,
        %get3A_274 = vector.shape_cast %get3A_273 : vector<1x16xf32> to vector<16xf32>
        %add3A_275 = arith.addf %get3A_274, %get3A_240 : vector<16xf32>
        %swap3A_276 = arith.index_cast %scan3A_106 : i32 to index
        %swap3A_277 = arith.constant 48 : index
        %swap3A_278 = tpu.vector_load %arg9[%swap3A_276, %swap3A_277] {strides = array<i32>} : memref<128x128xf32, #tpu.memory_space<vmem>>, vector<1x16xf32>,
        %swap3A_279 = vector.shape_cast %swap3A_278 : vector<1x16xf32> to vector<16xf32>
        %swap3A_280 = vector.shape_cast %add3A_275 : vector<16xf32> to vector<1x16xf32>
        tpu.vector_store %arg9[%swap3A_276, %swap3A_277], %swap3A_280 {strides = array<i32>} : memref<128x128xf32, #tpu.memory_space<vmem>>, vector<1x16xf32>,
        %get3A_281 = arith.index_cast %scan3A_106 : i32 to index
        %get3A_282 = arith.constant 64 : index
        %get3A_283 = tpu.vector_load %arg5[%get3A_281, %get3A_282] {strides = array<i32>} : memref<128x128xf32, #tpu.memory_space<vmem>>, vector<1x16xf32>,
        %get3A_284 = vector.shape_cast %get3A_283 : vector<1x16xf32> to vector<16xf32>
        %get3A_285 = arith.index_cast %scan3A_106 : i32 to index
        %get3A_286 = arith.constant 64 : index
        %get3A_287 = tpu.vector_load %arg6[%get3A_285, %get3A_286] {strides = array<i32>} : memref<128x128xf32, #tpu.memory_space<vmem>>, vector<1x16xf32>,
        %get3A_288 = vector.shape_cast %get3A_287 : vector<1x16xf32> to vector<16xf32>
        %add3A_289 = arith.addf %get3A_288, %get3A_284 : vector<16xf32>
        %swap3A_290 = arith.index_cast %scan3A_106 : i32 to index
        %swap3A_291 = arith.constant 64 : index
        %swap3A_292 = tpu.vector_load %arg6[%swap3A_290, %swap3A_291] {strides = array<i32>} : memref<128x128xf32, #tpu.memory_space<vmem>>, vector<1x16xf32>,
        %swap3A_293 = vector.shape_cast %swap3A_292 : vector<1x16xf32> to vector<16xf32>
        %swap3A_294 = vector.shape_cast %add3A_289 : vector<16xf32> to vector<1x16xf32>
        tpu.vector_store %arg6[%swap3A_290, %swap3A_291], %swap3A_294 {strides = array<i32>} : memref<128x128xf32, #tpu.memory_space<vmem>>, vector<1x16xf32>,
        %get3A_295 = arith.index_cast %scan3A_106 : i32 to index
        %get3A_296 = arith.constant 64 : index
        %get3A_297 = tpu.vector_load %arg7[%get3A_295, %get3A_296] {strides = array<i32>} : memref<128x128xf32, #tpu.memory_space<vmem>>, vector<1x16xf32>,
        %get3A_298 = vector.shape_cast %get3A_297 : vector<1x16xf32> to vector<16xf32>
        %add3A_299 = arith.addf %get3A_298, %get3A_284 : vector<16xf32>
        %swap3A_300 = arith.index_cast %scan3A_106 : i32 to index
        %swap3A_301 = arith.constant 64 : index
        %swap3A_302 = tpu.vector_load %arg7[%swap3A_300, %swap3A_301] {strides = array<i32>} : memref<128x128xf32, #tpu.memory_space<vmem>>, vector<1x16xf32>,
        %swap3A_303 = vector.shape_cast %swap3A_302 : vector<1x16xf32> to vector<16xf32>
        %swap3A_304 = vector.shape_cast %add3A_299 : vector<16xf32> to vector<1x16xf32>
        tpu.vector_store %arg7[%swap3A_300, %swap3A_301], %swap3A_304 {strides = array<i32>} : memref<128x128xf32, #tpu.memory_space<vmem>>, vector<1x16xf32>,
        %get3A_305 = arith.index_cast %scan3A_106 : i32 to index
        %get3A_306 = arith.constant 64 : index
        %get3A_307 = tpu.vector_load %arg8[%get3A_305, %get3A_306] {strides = array<i32>} : memref<128x128xf32, #tpu.memory_space<vmem>>, vector<1x16xf32>,
        %get3A_308 = vector.shape_cast %get3A_307 : vector<1x16xf32> to vector<16xf32>
        %add3A_309 = arith.addf %get3A_308, %get3A_284 : vector<16xf32>
        %swap3A_310 = arith.index_cast %scan3A_106 : i32 to index
        %swap3A_311 = arith.constant 64 : index
        %swap3A_312 = tpu.vector_load %arg8[%swap3A_310, %swap3A_311] {strides = array<i32>} : memref<128x128xf32, #tpu.memory_space<vmem>>, vector<1x16xf32>,
        %swap3A_313 = vector.shape_cast %swap3A_312 : vector<1x16xf32> to vector<16xf32>
        %swap3A_314 = vector.shape_cast %add3A_309 : vector<16xf32> to vector<1x16xf32>
        tpu.vector_store %arg8[%swap3A_310, %swap3A_311], %swap3A_314 {strides = array<i32>} : memref<128x128xf32, #tpu.memory_space<vmem>>, vector<1x16xf32>,
        %get3A_315 = arith.index_cast %scan3A_106 : i32 to index
        %get3A_316 = arith.constant 64 : index
        %get3A_317 = tpu.vector_load %arg9[%get3A_315, %get3A_316] {strides = array<i32>} : memref<128x128xf32, #tpu.memory_space<vmem>>, vector<1x16xf32>,
        %get3A_318 = vector.shape_cast %get3A_317 : vector<1x16xf32> to vector<16xf32>
        %add3A_319 = arith.addf %get3A_318, %get3A_284 : vector<16xf32>
        %swap3A_320 = arith.index_cast %scan3A_106 : i32 to index
        %swap3A_321 = arith.constant 64 : index
        %swap3A_322 = tpu.vector_load %arg9[%swap3A_320, %swap3A_321] {strides = array<i32>} : memref<128x128xf32, #tpu.memory_space<vmem>>, vector<1x16xf32>,
        %swap3A_323 = vector.shape_cast %swap3A_322 : vector<1x16xf32> to vector<16xf32>
        %swap3A_324 = vector.shape_cast %add3A_319 : vector<16xf32> to vector<1x16xf32>
        tpu.vector_store %arg9[%swap3A_320, %swap3A_321], %swap3A_324 {strides = array<i32>} : memref<128x128xf32, #tpu.memory_space<vmem>>, vector<1x16xf32>,
        %get3A_325 = arith.index_cast %scan3A_106 : i32 to index
        %get3A_326 = arith.constant 80 : index
        %get3A_327 = tpu.vector_load %arg5[%get3A_325, %get3A_326] {strides = array<i32>} : memref<128x128xf32, #tpu.memory_space<vmem>>, vector<1x16xf32>,
        %get3A_328 = vector.shape_cast %get3A_327 : vector<1x16xf32> to vector<16xf32>
        %get3A_329 = arith.index_cast %scan3A_106 : i32 to index
        %get3A_330 = arith.constant 80 : index
        %get3A_331 = tpu.vector_load %arg6[%get3A_329, %get3A_330] {strides = array<i32>} : memref<128x128xf32, #tpu.memory_space<vmem>>, vector<1x16xf32>,
        %get3A_332 = vector.shape_cast %get3A_331 : vector<1x16xf32> to vector<16xf32>
        %add3A_333 = arith.addf %get3A_332, %get3A_328 : vector<16xf32>
        %swap3A_334 = arith.index_cast %scan3A_106 : i32 to index
        %swap3A_335 = arith.constant 80 : index
        %swap3A_336 = tpu.vector_load %arg6[%swap3A_334, %swap3A_335] {strides = array<i32>} : memref<128x128xf32, #tpu.memory_space<vmem>>, vector<1x16xf32>,
        %swap3A_337 = vector.shape_cast %swap3A_336 : vector<1x16xf32> to vector<16xf32>
        %swap3A_338 = vector.shape_cast %add3A_333 : vector<16xf32> to vector<1x16xf32>
        tpu.vector_store %arg6[%swap3A_334, %swap3A_335], %swap3A_338 {strides = array<i32>} : memref<128x128xf32, #tpu.memory_space<vmem>>, vector<1x16xf32>,
        %get3A_339 = arith.index_cast %scan3A_106 : i32 to index
        %get3A_340 = arith.constant 80 : index
        %get3A_341 = tpu.vector_load %arg7[%get3A_339, %get3A_340] {strides = array<i32>} : memref<128x128xf32, #tpu.memory_space<vmem>>, vector<1x16xf32>,
        %get3A_342 = vector.shape_cast %get3A_341 : vector<1x16xf32> to vector<16xf32>
        %add3A_343 = arith.addf %get3A_342, %get3A_328 : vector<16xf32>
        %swap3A_344 = arith.index_cast %scan3A_106 : i32 to index
        %swap3A_345 = arith.constant 80 : index
        %swap3A_346 = tpu.vector_load %arg7[%swap3A_344, %swap3A_345] {strides = array<i32>} : memref<128x128xf32, #tpu.memory_space<vmem>>, vector<1x16xf32>,
        %swap3A_347 = vector.shape_cast %swap3A_346 : vector<1x16xf32> to vector<16xf32>
        %swap3A_348 = vector.shape_cast %add3A_343 : vector<16xf32> to vector<1x16xf32>
        tpu.vector_store %arg7[%swap3A_344, %swap3A_345], %swap3A_348 {strides = array<i32>} : memref<128x128xf32, #tpu.memory_space<vmem>>, vector<1x16xf32>,
        %get3A_349 = arith.index_cast %scan3A_106 : i32 to index
        %get3A_350 = arith.constant 80 : index
        %get3A_351 = tpu.vector_load %arg8[%get3A_349, %get3A_350] {strides = array<i32>} : memref<128x128xf32, #tpu.memory_space<vmem>>, vector<1x16xf32>,
        %get3A_352 = vector.shape_cast %get3A_351 : vector<1x16xf32> to vector<16xf32>
        %add3A_353 = arith.addf %get3A_352, %get3A_328 : vector<16xf32>
        %swap3A_354 = arith.index_cast %scan3A_106 : i32 to index
        %swap3A_355 = arith.constant 80 : index
        %swap3A_356 = tpu.vector_load %arg8[%swap3A_354, %swap3A_355] {strides = array<i32>} : memref<128x128xf32, #tpu.memory_space<vmem>>, vector<1x16xf32>,
        %swap3A_357 = vector.shape_cast %swap3A_356 : vector<1x16xf32> to vector<16xf32>
        %swap3A_358 = vector.shape_cast %add3A_353 : vector<16xf32> to vector<1x16xf32>
        tpu.vector_store %arg8[%swap3A_354, %swap3A_355], %swap3A_358 {strides = array<i32>} : memref<128x128xf32, #tpu.memory_space<vmem>>, vector<1x16xf32>,
        %get3A_359 = arith.index_cast %scan3A_106 : i32 to index
        %get3A_360 = arith.constant 80 : index
        %get3A_361 = tpu.vector_load %arg9[%get3A_359, %get3A_360] {strides = array<i32>} : memref<128x128xf32, #tpu.memory_space<vmem>>, vector<1x16xf32>,
        %get3A_362 = vector.shape_cast %get3A_361 : vector<1x16xf32> to vector<16xf32>
        %add3A_363 = arith.addf %get3A_362, %get3A_328 : vector<16xf32>
        %swap3A_364 = arith.index_cast %scan3A_106 : i32 to index
        %swap3A_365 = arith.constant 80 : index
        %swap3A_366 = tpu.vector_load %arg9[%swap3A_364, %swap3A_365] {strides = array<i32>} : memref<128x128xf32, #tpu.memory_space<vmem>>, vector<1x16xf32>,
        %swap3A_367 = vector.shape_cast %swap3A_366 : vector<1x16xf32> to vector<16xf32>
        %swap3A_368 = vector.shape_cast %add3A_363 : vector<16xf32> to vector<1x16xf32>
        tpu.vector_store %arg9[%swap3A_364, %swap3A_365], %swap3A_368 {strides = array<i32>} : memref<128x128xf32, #tpu.memory_space<vmem>>, vector<1x16xf32>,
        %get3A_369 = arith.index_cast %scan3A_106 : i32 to index
        %get3A_370 = arith.constant 96 : index
        %get3A_371 = tpu.vector_load %arg5[%get3A_369, %get3A_370] {strides = array<i32>} : memref<128x128xf32, #tpu.memory_space<vmem>>, vector<1x16xf32>,
        %get3A_372 = vector.shape_cast %get3A_371 : vector<1x16xf32> to vector<16xf32>
        %get3A_373 = arith.index_cast %scan3A_106 : i32 to index
        %get3A_374 = arith.constant 96 : index
        %get3A_375 = tpu.vector_load %arg6[%get3A_373, %get3A_374] {strides = array<i32>} : memref<128x128xf32, #tpu.memory_space<vmem>>, vector<1x16xf32>,
        %get3A_376 = vector.shape_cast %get3A_375 : vector<1x16xf32> to vector<16xf32>
        %add3A_377 = arith.addf %get3A_376, %get3A_372 : vector<16xf32>
        %swap3A_378 = arith.index_cast %scan3A_106 : i32 to index
        %swap3A_379 = arith.constant 96 : index
        %swap3A_380 = tpu.vector_load %arg6[%swap3A_378, %swap3A_379] {strides = array<i32>} : memref<128x128xf32, #tpu.memory_space<vmem>>, vector<1x16xf32>,
        %swap3A_381 = vector.shape_cast %swap3A_380 : vector<1x16xf32> to vector<16xf32>
        %swap3A_382 = vector.shape_cast %add3A_377 : vector<16xf32> to vector<1x16xf32>
        tpu.vector_store %arg6[%swap3A_378, %swap3A_379], %swap3A_382 {strides = array<i32>} : memref<128x128xf32, #tpu.memory_space<vmem>>, vector<1x16xf32>,
        %get3A_383 = arith.index_cast %scan3A_106 : i32 to index
        %get3A_384 = arith.constant 96 : index
        %get3A_385 = tpu.vector_load %arg7[%get3A_383, %get3A_384] {strides = array<i32>} : memref<128x128xf32, #tpu.memory_space<vmem>>, vector<1x16xf32>,
        %get3A_386 = vector.shape_cast %get3A_385 : vector<1x16xf32> to vector<16xf32>
        %add3A_387 = arith.addf %get3A_386, %get3A_372 : vector<16xf32>
        %swap3A_388 = arith.index_cast %scan3A_106 : i32 to index
        %swap3A_389 = arith.constant 96 : index
        %swap3A_390 = tpu.vector_load %arg7[%swap3A_388, %swap3A_389] {strides = array<i32>} : memref<128x128xf32, #tpu.memory_space<vmem>>, vector<1x16xf32>,
        %swap3A_391 = vector.shape_cast %swap3A_390 : vector<1x16xf32> to vector<16xf32>
        %swap3A_392 = vector.shape_cast %add3A_387 : vector<16xf32> to vector<1x16xf32>
        tpu.vector_store %arg7[%swap3A_388, %swap3A_389], %swap3A_392 {strides = array<i32>} : memref<128x128xf32, #tpu.memory_space<vmem>>, vector<1x16xf32>,
        %get3A_393 = arith.index_cast %scan3A_106 : i32 to index
        %get3A_394 = arith.constant 96 : index
        %get3A_395 = tpu.vector_load %arg8[%get3A_393, %get3A_394] {strides = array<i32>} : memref<128x128xf32, #tpu.memory_space<vmem>>, vector<1x16xf32>,
        %get3A_396 = vector.shape_cast %get3A_395 : vector<1x16xf32> to vector<16xf32>
        %add3A_397 = arith.addf %get3A_396, %get3A_372 : vector<16xf32>
        %swap3A_398 = arith.index_cast %scan3A_106 : i32 to index
        %swap3A_399 = arith.constant 96 : index
        %swap3A_400 = tpu.vector_load %arg8[%swap3A_398, %swap3A_399] {strides = array<i32>} : memref<128x128xf32, #tpu.memory_space<vmem>>, vector<1x16xf32>,
        %swap3A_401 = vector.shape_cast %swap3A_400 : vector<1x16xf32> to vector<16xf32>
        %swap3A_402 = vector.shape_cast %add3A_397 : vector<16xf32> to vector<1x16xf32>
        tpu.vector_store %arg8[%swap3A_398, %swap3A_399], %swap3A_402 {strides = array<i32>} : memref<128x128xf32, #tpu.memory_space<vmem>>, vector<1x16xf32>,
        %get3A_403 = arith.index_cast %scan3A_106 : i32 to index
        %get3A_404 = arith.constant 96 : index
        %get3A_405 = tpu.vector_load %arg9[%get3A_403, %get3A_404] {strides = array<i32>} : memref<128x128xf32, #tpu.memory_space<vmem>>, vector<1x16xf32>,
        %get3A_406 = vector.shape_cast %get3A_405 : vector<1x16xf32> to vector<16xf32>
        %add3A_407 = arith.addf %get3A_406, %get3A_372 : vector<16xf32>
        %swap3A_408 = arith.index_cast %scan3A_106 : i32 to index
        %swap3A_409 = arith.constant 96 : index
        %swap3A_410 = tpu.vector_load %arg9[%swap3A_408, %swap3A_409] {strides = array<i32>} : memref<128x128xf32, #tpu.memory_space<vmem>>, vector<1x16xf32>,
        %swap3A_411 = vector.shape_cast %swap3A_410 : vector<1x16xf32> to vector<16xf32>
        %swap3A_412 = vector.shape_cast %add3A_407 : vector<16xf32> to vector<1x16xf32>
        tpu.vector_store %arg9[%swap3A_408, %swap3A_409], %swap3A_412 {strides = array<i32>} : memref<128x128xf32, #tpu.memory_space<vmem>>, vector<1x16xf32>,
        %get3A_413 = arith.index_cast %scan3A_106 : i32 to index
        %get3A_414 = arith.constant 112 : index
        %get3A_415 = tpu.vector_load %arg5[%get3A_413, %get3A_414] {strides = array<i32>} : memref<128x128xf32, #tpu.memory_space<vmem>>, vector<1x16xf32>,
        %get3A_416 = vector.shape_cast %get3A_415 : vector<1x16xf32> to vector<16xf32>
        %get3A_417 = arith.index_cast %scan3A_106 : i32 to index
        %get3A_418 = arith.constant 112 : index
        %get3A_419 = tpu.vector_load %arg6[%get3A_417, %get3A_418] {strides = array<i32>} : memref<128x128xf32, #tpu.memory_space<vmem>>, vector<1x16xf32>,
        %get3A_420 = vector.shape_cast %get3A_419 : vector<1x16xf32> to vector<16xf32>
        %add3A_421 = arith.addf %get3A_420, %get3A_416 : vector<16xf32>
        %swap3A_422 = arith.index_cast %scan3A_106 : i32 to index
        %swap3A_423 = arith.constant 112 : index
        %swap3A_424 = tpu.vector_load %arg6[%swap3A_422, %swap3A_423] {strides = array<i32>} : memref<128x128xf32, #tpu.memory_space<vmem>>, vector<1x16xf32>,
        %swap3A_425 = vector.shape_cast %swap3A_424 : vector<1x16xf32> to vector<16xf32>
        %swap3A_426 = vector.shape_cast %add3A_421 : vector<16xf32> to vector<1x16xf32>
        tpu.vector_store %arg6[%swap3A_422, %swap3A_423], %swap3A_426 {strides = array<i32>} : memref<128x128xf32, #tpu.memory_space<vmem>>, vector<1x16xf32>,
        %get3A_427 = arith.index_cast %scan3A_106 : i32 to index
        %get3A_428 = arith.constant 112 : index
        %get3A_429 = tpu.vector_load %arg7[%get3A_427, %get3A_428] {strides = array<i32>} : memref<128x128xf32, #tpu.memory_space<vmem>>, vector<1x16xf32>,
        %get3A_430 = vector.shape_cast %get3A_429 : vector<1x16xf32> to vector<16xf32>
        %add3A_431 = arith.addf %get3A_430, %get3A_416 : vector<16xf32>
        %swap3A_432 = arith.index_cast %scan3A_106 : i32 to index
        %swap3A_433 = arith.constant 112 : index
        %swap3A_434 = tpu.vector_load %arg7[%swap3A_432, %swap3A_433] {strides = array<i32>} : memref<128x128xf32, #tpu.memory_space<vmem>>, vector<1x16xf32>,
        %swap3A_435 = vector.shape_cast %swap3A_434 : vector<1x16xf32> to vector<16xf32>
        %swap3A_436 = vector.shape_cast %add3A_431 : vector<16xf32> to vector<1x16xf32>
        tpu.vector_store %arg7[%swap3A_432, %swap3A_433], %swap3A_436 {strides = array<i32>} : memref<128x128xf32, #tpu.memory_space<vmem>>, vector<1x16xf32>,
        %get3A_437 = arith.index_cast %scan3A_106 : i32 to index
        %get3A_438 = arith.constant 112 : index
        %get3A_439 = tpu.vector_load %arg8[%get3A_437, %get3A_438] {strides = array<i32>} : memref<128x128xf32, #tpu.memory_space<vmem>>, vector<1x16xf32>,
        %get3A_440 = vector.shape_cast %get3A_439 : vector<1x16xf32> to vector<16xf32>
        %add3A_441 = arith.addf %get3A_440, %get3A_416 : vector<16xf32>
        %swap3A_442 = arith.index_cast %scan3A_106 : i32 to index
        %swap3A_443 = arith.constant 112 : index
        %swap3A_444 = tpu.vector_load %arg8[%swap3A_442, %swap3A_443] {strides = array<i32>} : memref<128x128xf32, #tpu.memory_space<vmem>>, vector<1x16xf32>,
        %swap3A_445 = vector.shape_cast %swap3A_444 : vector<1x16xf32> to vector<16xf32>
        %swap3A_446 = vector.shape_cast %add3A_441 : vector<16xf32> to vector<1x16xf32>
        tpu.vector_store %arg8[%swap3A_442, %swap3A_443], %swap3A_446 {strides = array<i32>} : memref<128x128xf32, #tpu.memory_space<vmem>>, vector<1x16xf32>,
        %get3A_447 = arith.index_cast %scan3A_106 : i32 to index
        %get3A_448 = arith.constant 112 : index
        %get3A_449 = tpu.vector_load %arg9[%get3A_447, %get3A_448] {strides = array<i32>} : memref<128x128xf32, #tpu.memory_space<vmem>>, vector<1x16xf32>,
        %get3A_450 = vector.shape_cast %get3A_449 : vector<1x16xf32> to vector<16xf32>
        %add3A_451 = arith.addf %get3A_450, %get3A_416 : vector<16xf32>
        %swap3A_452 = arith.index_cast %scan3A_106 : i32 to index
        %swap3A_453 = arith.constant 112 : index
        %swap3A_454 = tpu.vector_load %arg9[%swap3A_452, %swap3A_453] {strides = array<i32>} : memref<128x128xf32, #tpu.memory_space<vmem>>, vector<1x16xf32>,
        %swap3A_455 = vector.shape_cast %swap3A_454 : vector<1x16xf32> to vector<16xf32>
        %swap3A_456 = vector.shape_cast %add3A_451 : vector<16xf32> to vector<1x16xf32>
        tpu.vector_store %arg9[%swap3A_452, %swap3A_453], %swap3A_456 {strides = array<i32>} : memref<128x128xf32, #tpu.memory_space<vmem>>, vector<1x16xf32>,
      }
      %scan3A_65 = arith.constant 128 : i32
      %add3A_66 = arith.constant 0 : i32
      %add3A_67 = arith.addi %mul3A_13, %add3A_66 : i32
      %dma_start3A_68 = arith.constant 0 : i32
      %dma_start3A_69 = tpu.memref_slice %arg4[%add3A_67, %dma_start3A_68] : memref<131072x128xf32, #tpu.memory_space<hbm>> -> memref<128x128xf32, #tpu.memory_space<hbm>>
      %dma_start3A_70 = arith.constant 0 : i32
      %dma_start3A_71 = tpu.memref_slice %arg4[%add3A_67, %dma_start3A_70] : memref<131072x128xf32, #tpu.memory_space<hbm>> -> memref<128x128xf32, #tpu.memory_space<hbm>>
      tpu.enqueue_dma source(%arg6 : memref<128x128xf32, #tpu.memory_space<vmem>>) target(%dma_start3A_71 : memref<128x128xf32, #tpu.memory_space<hbm>>) target_semaphore(%arg11 : memref<!tpu.dma_semaphore, #tpu.memory_space<semaphore_mem>>)
      %add3A_72 = arith.constant 32768 : i32
      %add3A_73 = arith.addi %mul3A_13, %add3A_72 : i32
      %dma_start3A_74 = arith.constant 0 : i32
      %dma_start3A_75 = tpu.memref_slice %arg4[%add3A_73, %dma_start3A_74] : memref<131072x128xf32, #tpu.memory_space<hbm>> -> memref<128x128xf32, #tpu.memory_space<hbm>>
      %dma_start3A_76 = arith.constant 0 : i32
      %dma_start3A_77 = tpu.memref_slice %arg4[%add3A_73, %dma_start3A_76] : memref<131072x128xf32, #tpu.memory_space<hbm>> -> memref<128x128xf32, #tpu.memory_space<hbm>>
      tpu.enqueue_dma source(%arg7 : memref<128x128xf32, #tpu.memory_space<vmem>>) target(%dma_start3A_77 : memref<128x128xf32, #tpu.memory_space<hbm>>) target_semaphore(%arg11 : memref<!tpu.dma_semaphore, #tpu.memory_space<semaphore_mem>>)
      %add3A_78 = arith.constant 65536 : i32
      %add3A_79 = arith.addi %mul3A_13, %add3A_78 : i32
      %dma_start3A_80 = arith.constant 0 : i32
      %dma_start3A_81 = tpu.memref_slice %arg4[%add3A_79, %dma_start3A_80] : memref<131072x128xf32, #tpu.memory_space<hbm>> -> memref<128x128xf32, #tpu.memory_space<hbm>>
      %dma_start3A_82 = arith.constant 0 : i32
      %dma_start3A_83 = tpu.memref_slice %arg4[%add3A_79, %dma_start3A_82] : memref<131072x128xf32, #tpu.memory_space<hbm>> -> memref<128x128xf32, #tpu.memory_space<hbm>>
      tpu.enqueue_dma source(%arg8 : memref<128x128xf32, #tpu.memory_space<vmem>>) target(%dma_start3A_83 : memref<128x128xf32, #tpu.memory_space<hbm>>) target_semaphore(%arg11 : memref<!tpu.dma_semaphore, #tpu.memory_space<semaphore_mem>>)
      %add3A_84 = arith.constant 98304 : i32
      %add3A_85 = arith.addi %mul3A_13, %add3A_84 : i32
      %dma_start3A_86 = arith.constant 0 : i32
      %dma_start3A_87 = tpu.memref_slice %arg4[%add3A_85, %dma_start3A_86] : memref<131072x128xf32, #tpu.memory_space<hbm>> -> memref<128x128xf32, #tpu.memory_space<hbm>>
      %dma_start3A_88 = arith.constant 0 : i32
      %dma_start3A_89 = tpu.memref_slice %arg4[%add3A_85, %dma_start3A_88] : memref<131072x128xf32, #tpu.memory_space<hbm>> -> memref<128x128xf32, #tpu.memory_space<hbm>>
      tpu.enqueue_dma source(%arg9 : memref<128x128xf32, #tpu.memory_space<vmem>>) target(%dma_start3A_89 : memref<128x128xf32, #tpu.memory_space<hbm>>) target_semaphore(%arg11 : memref<!tpu.dma_semaphore, #tpu.memory_space<semaphore_mem>>)
      %dma_wait3A_90 = arith.constant 0 : i32
      %dma_wait3A_91 = tpu.memref_slice %arg4[%add3A_67, %dma_wait3A_90] : memref<131072x128xf32, #tpu.memory_space<hbm>> -> memref<128x128xf32, #tpu.memory_space<hbm>>
      %dma_wait3A_92 = arith.constant 0 : i32
      %dma_wait3A_93 = tpu.memref_slice %arg4[%add3A_67, %dma_wait3A_92] : memref<131072x128xf32, #tpu.memory_space<hbm>> -> memref<128x128xf32, #tpu.memory_space<hbm>>
      tpu.wait_dma2 semaphore(%arg11 : memref<!tpu.dma_semaphore, #tpu.memory_space<semaphore_mem>>) src(%arg6 : memref<128x128xf32, #tpu.memory_space<vmem>>) dst(%dma_wait3A_93 : memref<128x128xf32, #tpu.memory_space<hbm>>)
      %dma_wait3A_94 = arith.constant 0 : i32
      %dma_wait3A_95 = tpu.memref_slice %arg4[%add3A_73, %dma_wait3A_94] : memref<131072x128xf32, #tpu.memory_space<hbm>> -> memref<128x128xf32, #tpu.memory_space<hbm>>
      %dma_wait3A_96 = arith.constant 0 : i32
      %dma_wait3A_97 = tpu.memref_slice %arg4[%add3A_73, %dma_wait3A_96] : memref<131072x128xf32, #tpu.memory_space<hbm>> -> memref<128x128xf32, #tpu.memory_space<hbm>>
      tpu.wait_dma2 semaphore(%arg11 : memref<!tpu.dma_semaphore, #tpu.memory_space<semaphore_mem>>) src(%arg7 : memref<128x128xf32, #tpu.memory_space<vmem>>) dst(%dma_wait3A_97 : memref<128x128xf32, #tpu.memory_space<hbm>>)
      %dma_wait3A_98 = arith.constant 0 : i32
      %dma_wait3A_99 = tpu.memref_slice %arg4[%add3A_79, %dma_wait3A_98] : memref<131072x128xf32, #tpu.memory_space<hbm>> -> memref<128x128xf32, #tpu.memory_space<hbm>>
      %dma_wait3A_100 = arith.constant 0 : i32
      %dma_wait3A_101 = tpu.memref_slice %arg4[%add3A_79, %dma_wait3A_100] : memref<131072x128xf32, #tpu.memory_space<hbm>> -> memref<128x128xf32, #tpu.memory_space<hbm>>
      tpu.wait_dma2 semaphore(%arg11 : memref<!tpu.dma_semaphore, #tpu.memory_space<semaphore_mem>>) src(%arg8 : memref<128x128xf32, #tpu.memory_space<vmem>>) dst(%dma_wait3A_101 : memref<128x128xf32, #tpu.memory_space<hbm>>)
      %dma_wait3A_102 = arith.constant 0 : i32
      %dma_wait3A_103 = tpu.memref_slice %arg4[%add3A_85, %dma_wait3A_102] : memref<131072x128xf32, #tpu.memory_space<hbm>> -> memref<128x128xf32, #tpu.memory_space<hbm>>
      %dma_wait3A_104 = arith.constant 0 : i32
      %dma_wait3A_105 = tpu.memref_slice %arg4[%add3A_85, %dma_wait3A_104] : memref<131072x128xf32, #tpu.memory_space<hbm>> -> memref<128x128xf32, #tpu.memory_space<hbm>>
      tpu.wait_dma2 semaphore(%arg11 : memref<!tpu.dma_semaphore, #tpu.memory_space<semaphore_mem>>) src(%arg9 : memref<128x128xf32, #tpu.memory_space<vmem>>) dst(%dma_wait3A_105 : memref<128x128xf32, #tpu.memory_space<hbm>>)
    }
    %scan3A_5 = arith.constant 8 : i32
    return
  }
}

</mosaic_0001>

<sc_bundles>
// kernel: kernel.3.cloned.1.call-start
scs
__scs_entry_jumppad:
0x0: {  	(pc) =	sbr.rel $0x88, $3  }
0x1: {  	(tag) =	ssettag $0x0;
	lr =	simm.s32 $0x1  }
0x2: {  	[smem:$0x3F9F] =	sst lr;
	_ =	strace $0xD0000000  }
0x3: {  	_ = 	snop  }
0x4: {  	_ = 	snop  }
0x5: {  	_ = 	snop  }
0x6: {  	_ = 	snop  }
0x7: {  	_ = 	snop  }
__scs_overlays_trampoline_lowered:
0x8: {  	[smem:$0x3FAE] =	sst s0  }
0x9: {  	[smem:$0x3FAF] =	sst s1  }
0xa: {  	[smem:$0x3FB0] =	sst s2  }
0xb: {  	[smem:$0x3FB1] =	sst s3  }
0xc: {  	[smem:$0x3FB2] =	sst s4  }
0xd: {  	[smem:$0x3FB3] =	sst s5  }
0xe: {  	[smem:$0x3FB4] =	sst s6  }
0xf: {  	[smem:$0x3FB5] =	sst s7  }
0x10: {  	[smem:$0x3FB6] =	sst s8  }
0x11: {  	[smem:$0x3FB7] =	sst s9;
	s0 =	simm.s32 @!p0 $0x0  }
0x12: {  	s1 =	sld [smem:$0x3F9D];
	s0 =	simm.s32 @p0 $0x1  }
0x13: {  	[smem:$0x3FB8] =	sst s0;
	s0 =	simm.s32 @!p1 $0x0  }
0x14: {  	s2 =	sld [smem:$0x3F9C];
	s0 =	simm.s32 @p1 $0x1  }
0x15: {  	[smem:$0x3FB9] =	sst s0;
	s0 =	simm.s32 @!p2 $0x0  }
0x16: {  	s3 =	sld [smem:$0x3FDB];
	s0 =	simm.s32 @p2 $0x1  }
0x17: {  	s4 =	simm.s32 $0x1BF5;
	[smem:$0x3FBB] =	sst s0  }
0x18: {  	s0 =	sld [smem:$0x3F9E];
	_ =	swait.ge [sflag:s4], $0x0  }
0x19: {  	s7 =	sld [smem:$0x3F9F]  }
0x1a: {  	s8 =	sadd.s32 $0xFFFFE003, lr  }
0x1b: {  	s9 =	sadd.s32 $0xFFFFFEF7, lr;
	s5 =	simm.s32 $0xFFFFFFFF;
	p2 =	slt.u32 s8, $0xFFFFF086  }
0x1c: {  	p1 =	slt.u32 s9, $0xF7A;
	s5 =	simm.s32 @!p2 $0x0  }
0x1d: {  	s5 =	simm.s32 @p1 $0x1;
	p0 =	seq.s32 s7, s2  }
0x1e: {  	s7 =	smul.u32 @!p0 $0xF7A, s2;
	p2 =	seq.s32 @!p0 s5, $0x0  }
0x1f: {  	s9 =	smul.u32 $0xF7A, s1;
	s8 =	simm.s32 @!p0 $0x1BF5;
	p2 =	por !p2, p0  }
0x20: {  	[sflag:s8] =	ssyncset.s32 @!p0 $0xFFFFF086;
	s6 =	sadd.s32 @!p0 s3, s7;
	s7 =	simm.s32 @!p0 $0x108  }
0x21: {  	s3 =	sadd.s32 s3, s9;
	s6 =	sadd.s32 @!p0 $0x88, s6;
	s7 =	simm.s32 @p2 $0x1082  }
0x22: {  	[simem:s7], [sflag:s8] =	dma.local @!p0 [hbm:s6], $0xF7A  }
0x23: {  	s9 =	sor.u32 $0xD0000000, s2;
	s6 =	simm.s32 $0x108;
	_ =	swait.ge @!p0 [sflag:s8], $0x0  }
0x24: {  	s3 =	sadd.s32 $0x88, s3;
	s6 =	simm.s32 @!p1 $0x1082;
	[sflag:s4] =	ssyncset.s32 $0xFFFFF086  }
0x25: {  	[simem:s6], [sflag:s4] =	dma.local [hbm:s3], $0xF7A  }
0x26: {  	[smem:$0x3F9F] =	sst s1;
	(tag) =	ssettag s2;
	_ =	strace s9  }
0x27: {  	s1 =	sld [smem:$0x3FAF]  }
0x28: {  	s2 =	sld [smem:$0x3FB0]  }
0x29: {  	s4 =	sld [smem:$0x3FB2]  }
0x2a: {  	p0 =	seq.s32 s5, $0x0;
	s5 =	sld [smem:$0x3FB3]  }
0x2b: {  	s6 =	sld [smem:$0x3FB4]  }
0x2c: {  	s7 =	sld [smem:$0x3FB5]  }
0x2d: {  	s3 =	simm.s32 $0x108;
	s8 =	sld [smem:$0x3FB6]  }
0x2e: {  	s3 =	simm.s32 @!p0 $0x1082;
	s9 =	sld [smem:$0x3FB7]  }
0x2f: {  	lr =	sadd.s32 s0, s3;
	s0 =	sld [smem:$0x3FAE]  }
0x30: {  	s3 =	sld [smem:$0x3FB1]  }
0x31: {  	[smem:$0x3FBA] =	sst s10  }
0x32: {  	s10 =	sld [smem:$0x3FB8];
	_ =	sdelay $0x3  }
0x33: {  	p0 =	seq.s32 s10, $0x1;
	s10 =	sld [smem:$0x3FBA];
	_ =	sdelay $0x3  }
0x34: {  	[smem:$0x3FBA] =	sst s10  }
0x35: {  	s10 =	sld [smem:$0x3FB9];
	_ =	sdelay $0x3  }
0x36: {  	p1 =	seq.s32 s10, $0x1;
	s10 =	sld [smem:$0x3FBA];
	_ =	sdelay $0x3  }
0x37: {  	[smem:$0x3FBA] =	sst s10  }
0x38: {  	s10 =	sld [smem:$0x3FBB]  }
0x39: {  	_ = 	snop;
	(pc) =	sbr.ind lr, $3  }
0x3a: {  	_ = 	snop  }
0x3b: {  	_ = 	snop  }
0x3c: {  	p2 =	seq.s32 s10, $0x1;
	s10 =	sld [smem:$0x3FBA]  }
0x3d: {  	_ =	shalt  }
0x3e: {  	_ =	shalt  }
0x3f: {  	_ =	shalt  }
0x40: {  	_ =	shalt  }
0x41: {  	_ =	shalt  }
0x42: {  	_ =	shalt  }
0x43: {  	_ =	shalt  }
0x44: {  	_ =	shalt  }
0x45: {  	_ =	shalt  }
0x46: {  	_ =	shalt  }
0x47: {  	_ =	shalt  }
0x48: {  	_ =	shalt  }
0x49: {  	_ =	shalt  }
0x4a: {  	_ =	shalt  }
0x4b: {  	_ =	shalt  }
0x4c: {  	_ =	shalt  }
0x4d: {  	_ =	shalt  }
0x4e: {  	_ =	shalt  }
0x4f: {  	_ =	shalt  }
0x50: {  	_ =	shalt  }
0x51: {  	_ =	shalt  }
0x52: {  	_ =	shalt  }
0x53: {  	_ =	shalt  }
0x54: {  	_ =	shalt  }
0x55: {  	_ =	shalt  }
0x56: {  	_ =	shalt  }
0x57: {  	_ =	shalt  }
0x58: {  	_ =	shalt  }
0x59: {  	_ =	shalt  }
0x5a: {  	_ =	shalt  }
0x5b: {  	_ =	shalt  }
0x5c: {  	_ =	shalt  }
0x5d: {  	_ =	shalt  }
0x5e: {  	_ =	shalt  }
0x5f: {  	_ =	shalt  }
0x60: {  	_ =	shalt  }
0x61: {  	_ =	shalt  }
0x62: {  	_ =	shalt  }
0x63: {  	_ =	shalt  }
0x64: {  	_ =	shalt  }
0x65: {  	_ =	shalt  }
0x66: {  	_ =	shalt  }
0x67: {  	_ =	shalt  }
0x68: {  	_ =	shalt  }
0x69: {  	_ =	shalt  }
0x6a: {  	_ =	shalt  }
0x6b: {  	_ =	shalt  }
0x6c: {  	_ =	shalt  }
0x6d: {  	_ =	shalt  }
0x6e: {  	_ =	shalt  }
0x6f: {  	_ =	shalt  }
0x70: {  	_ =	shalt  }
0x71: {  	_ =	shalt  }
0x72: {  	_ =	shalt  }
0x73: {  	_ =	shalt  }
0x74: {  	_ =	shalt  }
0x75: {  	_ =	shalt  }
0x76: {  	_ =	shalt  }
0x77: {  	_ =	shalt  }
0x78: {  	_ =	shalt  }
0x79: {  	_ =	shalt  }
0x7a: {  	_ =	shalt  }
0x7b: {  	_ =	shalt  }
0x7c: {  	_ =	shalt  }
0x7d: {  	_ =	shalt  }
0x7e: {  	_ =	shalt  }
0x7f: {  	_ =	shalt  }
0x80: {  	_ =	shalt  }
0x81: {  	_ =	shalt  }
0x82: {  	_ =	shalt  }
0x83: {  	_ =	shalt  }
0x84: {  	_ =	shalt  }
0x85: {  	_ =	shalt  }
0x86: {  	_ =	shalt  }
0x87: {  	_ =	shalt  }
.Lfunc_end0:
.L_simem_size_0:
called_computation_lowered:
.L_overlay_start_0:
0x88: {  	s2 =	sld [smem:$0x3FD9]  }
0x89: {  	s3 =	sld [smem:$0x3FFE];
	_ =	sdelay $0x1  }
0x8a: {  	s1 =	srdreg.scid  }
0x8b: {  	s0 =	sand.u32 $0x1, s1  }
0x8c: {  	s17 =	sshll.u32 s0, $0xA;
	s2 =	sadd.s32 s3, s2  }
0x8d: {  	s2 =	sadd.s32 s2, s17  }
0x8e: {  	[smem:$0x3FC6] =	sst s2  }
0x8f: {  	_ = 	snop  }
0x90: {  	s2 =	sld [smem:$0x3FD0];
	(tm) =	ssettm $0x1  }
0x91: {  	s18 =	sld [smem:$0x3FFB];
	_ =	sdelay $0x3  }
0x92: {  	_ =	strace s18  }
0x93: {  	s3 =	sld [smem:$0x3FFC];
	_ =	sdelay $0x3  }
0x94: {  	_ =	strace s3  }
0x95: {  	s3 =	sld [smem:$0x3FFD];
	_ =	sdelay $0x3  }
0x96: {  	_ =	strace s3  }
0x97: {  	_ =	strace $0x8FFFFFFF  }
0x98: {  	s19 =	sld [smem:$0x3FDB];
	_ =	sdelay $0x1  }
0x99: {  	s4 =	simm.s32 $_scs_section_size  }
0x9a: {  	s5 =	simm.s32 $_size__tile_overlayer_lowered;
	s6 =	simm.s32 $_tile_overlayer_lowered  }
0x9b: {  	s22 =	simm.s32 $0x1BFF;
	s21 =	sshll.u32 s6, $0x1;
	s3 =	sadd.s32 s4, s19  }
0x9c: {  	s7 =	simm.s32 $0x0;
	s20 =	sshll.u32 s5, $0x1;
	s5 =	sadd.s32 s21, s3  }
0x9d: {  	[timem:s7], [sflag:s22] =	dma.local [hbm:s5], s20  }
0x9e: {  	_ =	swait.ge [sflag:s22], s20  }
0x9f: {  	s4 =	ssub.s32 $0x0, s20;
	[sflag:s22] =	ssyncset.done $0x0  }
0xa0: {  	[sflag:s22] =	ssyncadd.s32 s4;
	_ =	sdelay $0x1  }
0xa1: {  	s23 =	simm.s32 $0x1B8B  }
0xa2: {  	_ =	swait.ge [sflag:s23], $0x1  }
0xa3: {  	[sflag:s23] =	ssyncset.done $0x0  }
0xa4: {  	s25 =	simm.s32 $0x1B8E;
	s24 =	sld [smem:$0x3FFE];
	[sflag:s23] =	ssyncadd.s32 $0xFFFFFFFF  }
0xa5: {  	s26 =	simm.s32 $execute0_lowered;
	[smem:$0x3FD2] =	sst s25  }
0xa6: {  	s5 =	sshll.u32 s26, $0x1;
	_ =	strace $0x80000046;
	[dreg:$0x1] =	wrdreg $0xFFFFFFFF  }
0xa7: {  	s28 =	simm.s32 $_size_execute0_lowered;
	s3 =	sadd.s32 s3, s5;
	[dreg:$0x0] =	wrdreg $0x0  }
0xa8: {  	s5 =	sshll.u32 s28, $0x1;
	[dreg:$0x2] =	wrdreg s3  }
0xa9: {  	[dreg:$0x3] =	wrdreg s5  }
0xaa: {  	[dreg:$0x4] =	wrdreg $0xC0  }
0xab: {  	_ =	task [dreg:s7], $0x5FFFF  }
0xac: {  	[dreg:$0x1] =	wrdreg $0xFFFFFFFF  }
0xad: {  	[dreg:$0x0] =	wrdreg $0x60  }
0xae: {  	[dreg:$0x2] =	wrdreg s2  }
0xaf: {  	[dreg:$0x3] =	wrdreg s24  }
0xb0: {  	[dreg:$0x4] =	wrdreg $0x9  }
0xb1: {  	_ =	task.clear_ibuf [dreg:s7], $0x5FFFF;
	_ =	strace $0x90000046  }
0xb2: {  	s29 =	simm.s32 $0x9;
	_ =	strace $0x80000048  }
0xb3: {  	_ =	swait.ge [sflag:s29], $0x1  }
0xb4: {  	[sflag:s29] =	ssyncadd.s32 $0xFFFFFFFF  }
0xb5: {  	_ =	strace $0x90000048  }
0xb6: {  	_ =	sfence  }
0xb7: {  	s30 =	sld [smem:$0x0];
	_ =	sdelay $0x2  }
0xb8: {  	s31 =	sshll.u32 s1, $0xD;
	s1 =	sshrl.u32 s1, $0x2  }
0xb9: {  	s3 =	sand.u32 $0x4000, s31;
	s1 =	sadd.s32 s1, s30  }
0xba: {  	s0 =	sor.u32 s3, s0;
	s1 =	sshll.u32 s1, $0x11  }
0xbb: {  	s0 =	sor.u32 s1, s0  }
0xbc: {  	s0 =	sadd.s32 $0x8F2B, s0  }
0xbd: {  	[sflag:s0] =	ssyncadd.remote.s32 $0x1  }
0xbe: {  	_ =	sfence.sel $0xFFFF  }
0xbf: {  	[dreg:$0x0] =	wrdreg $0xFFFFFFFF;
	(pc) =	sbr.abs _section_cstart, $3  }
0xc0: {  	[dreg:$0x1] =	wrdreg $0xFFFFFFFF  }
0xc1: {  	_ =	task.clear_ibuf [dreg:s7], $0x2FFFF;
	_ =	strace $0x9FFFFFFF  }
0xc2: {  	(tm) =	ssettm $0x7FFFFFFF  }
0xc3: {  	_ =	shalt  }
tec
execute0_lowered:
.L_overlay_start_1:
0x0: {  	(tag) =	ssettag $0x1  }
0x1: {  	s1 =	rddreg [dreg:$0x0]  }
0x2: {  	s3 =	rddreg [dreg:$0x1]  }
0x3: {  	s0 =	rddreg [dreg:$0x2];
	s2 =	simm.s32 $0x0  }
0x4: {  	s4 =	srdreg.scid;
	s9 =	simm.s32 $0x8000;
	s10 =	simm.s32 $0xC000  }
0x5: {  	s11 =	simm.s32 $0x10000;
	s12 =	simm.s32 $0x1;
	s13 =	simm.s32 $0x2  }
0x6: {  	s14 =	simm.s32 $0x0;
	[smem:$0x7FF] =	sst s2;
	s6 =	sand.u32 $0x1, s4  }
0x7: {  	s4 =	sadd.s32 $0x400, s3;
	s5 =	sadd.s32 $0x100400, s3;
	s7 =	ssub.s32 $0x2, s6  }
0x8: {  	s3 =	stileid.u32;
	_ =	strace $0x80000047;
	s8 =	sshrl.u32 s7, $0x1  }
0x9: {  	s31 =	sshll.u32 s3, $0xF;
	s6 =	sshll.u32 s6, $0xE;
	s7 =	ssub.s32 s7, s8  }
0xa: {  	s6 =	sor.u32 s6, s31;
	s8 =	simm.s32 $0x4000;
	s7 =	smax.u32 s7, $0x1  }
.LBB2_1:
0xb: {  	s15 =	simm.s32 $0x0  }
.LBB2_2:
0xc: {  	s16 =	sshll.u32 s15, $0xB  }
0xd: {  	s16 =	sadd.s32 s6, s16  }
0xe: {  	s20 =	simm.s32 $0x0;
	s17 =	sadd.s32 s4, s16  }
0xf: {  	[tilespmem:s20], [sflag:$0x1] =	stream.linear.gather [hbm4b:s17+s20], $0x4000, $0x38;
	[tilespmem:$0x14000] =	vst v63  }
0x10: {  	s31 =	sadd.s32 s1, s16;
	s17 =	sor.u32 $0x80000, s16  }
0x11: {  	[tilespmem:s8], [sflag:$0x1] =	stream.linear.gather [hbm4b:s31+s20], $0x4000, $0x38;
	[tilespmem:$0x14000] =	vst v63  }
0x12: {  	s18 =	sadd.s32 s1, s17  }
0x13: {  	[tilespmem:s9], [sflag:$0x1] =	stream.linear.gather [hbm4b:s18+s20], $0x4000, $0x38;
	[tilespmem:$0x14000] =	vst v63  }
0x14: {  	s18 =	sor.u32 $0x100000, s16  }
0x15: {  	s19 =	sadd.s32 s1, s18  }
0x16: {  	[tilespmem:s10], [sflag:$0x1] =	stream.linear.gather [hbm4b:s19+s20], $0x4000, $0x38;
	[tilespmem:$0x14000] =	vst v63  }
0x17: {  	s19 =	sor.u32 $0x180000, s16  }
0x18: {  	s21 =	sadd.s32 s1, s19  }
0x19: {  	[tilespmem:s11], [sflag:$0x1] =	stream.linear.gather [hbm4b:s21+s20], $0x4000, $0x38;
	[tilespmem:$0x14000] =	vst v63  }
0x1a: {  	_ =	swait.ge [sflag:s12], $0x4000  }
0x1b: {  	[sflag:s12] =	ssyncset.done $0x0  }
0x1c: {  	[sflag:s12] =	ssyncadd.s32 $0xFFFFC000  }
0x1d: {  	_ =	swait.ge [sflag:s12], $0x4000  }
0x1e: {  	[sflag:s12] =	ssyncset.done $0x0  }
0x1f: {  	[sflag:s12] =	ssyncadd.s32 $0xFFFFC000  }
0x20: {  	_ =	swait.ge [sflag:s12], $0x4000  }
0x21: {  	[sflag:s12] =	ssyncset.done $0x0  }
0x22: {  	[sflag:s12] =	ssyncadd.s32 $0xFFFFC000  }
0x23: {  	_ =	swait.ge [sflag:s12], $0x4000  }
0x24: {  	[sflag:s12] =	ssyncset.done $0x0  }
0x25: {  	[sflag:s12] =	ssyncadd.s32 $0xFFFFC000  }
0x26: {  	_ =	swait.ge [sflag:s12], $0x4000  }
0x27: {  	[sflag:s12] =	ssyncset.done $0x0  }
0x28: {  	s20 =	simm.s32 $0x0;
	[sflag:s12] =	ssyncadd.s32 $0xFFFFC000  }
0x29: {  	v2 =	vld [tilespmem:s20+$0x0]  }
0x2a: {  	v3 =	vld [tilespmem:s20+$0x10]  }
0x2b: {  	v4 =	vld [tilespmem:s20+$0x20]  }
0x2c: {  	v5 =	vld [tilespmem:s20+$0x30]  }
0x2d: {  	v6 =	vld [tilespmem:s20+$0x40]  }
0x2e: {  	v7 =	vld [tilespmem:s20+$0x50]  }
0x2f: {  	v1 =	vld [tilespmem:s20+$0x60]  }
0x30: {  	v8 =	vld [tilespmem:s20+$0x4000]  }
0x31: {  	v9 =	vld [tilespmem:s20+$0x8000]  }
0x32: {  	v10 =	vld [tilespmem:s20+$0xC000]  }
0x33: {  	v11 =	vld [tilespmem:s20+$0x10000]  }
0x34: {  	v12 =	vld [tilespmem:s20+$0x4010]  }
0x35: {  	v13 =	vld [tilespmem:s20+$0x8010]  }
0x36: {  	v14 =	vld [tilespmem:s20+$0xC010];
	v8 =	vadd.f32 v8, v2  }
0x37: {  	v62 =	vld [tilespmem:s20+$0x4030];
	v9 =	vadd.f32 v9, v2  }
0x38: {  	v10 =	vadd.f32 v10, v2;
	v2 =	vadd.f32 v11, v2;
	[tilespmem:s20+$0x4000] =	vst v8;
	v8 =	vld [tilespmem:s20+$0x10010]  }
0x39: {  	[tilespmem:s20+$0x8000] =	vst v9;
	v9 =	vld [tilespmem:s20+$0x4020]  }
0x3a: {  	v11 =	vadd.f32 v12, v3;
	[tilespmem:s20+$0x10000] =	vst v2;
	v2 =	vld [tilespmem:s20+$0xC020]  }
0x3b: {  	v60 =	vadd.f32 v13, v3;
	[tilespmem:s20+$0xC000] =	vst v10;
	v10 =	vld [tilespmem:s20+$0x8020]  }
0x3c: {  	v61 =	vadd.f32 v14, v3;
	[tilespmem:s20+$0x4010] =	vst v11;
	v11 =	vld [tilespmem:s20+$0x10020]  }
0x3d: {  	v0 =	vld [tilespmem:s20+$0x70];
	[tilespmem:s20+$0x8010] =	vst v60;
	v3 =	vadd.f32 v8, v3  }
0x3e: {  	[tilespmem:s20+$0xC010] =	vst v61;
	v8 =	vld [tilespmem:s20+$0x8030];
	v9 =	vadd.f32 v9, v4  }
0x3f: {  	v2 =	vadd.f32 v2, v4;
	[tilespmem:s20+$0x10010] =	vst v3;
	v3 =	vld [tilespmem:s20+$0xC030]  }
0x40: {  	v10 =	vadd.f32 v10, v4;
	[tilespmem:s20+$0x4020] =	vst v9;
	v9 =	vld [tilespmem:s20+$0x10030]  }
0x41: {  	v4 =	vadd.f32 v11, v4;
	v11 =	vadd.f32 v62, v5;
	[tilespmem:s20+$0xC020] =	vst v2;
	v2 =	vld [tilespmem:s20+$0x8040]  }
0x42: {  	[tilespmem:s20+$0x8020] =	vst v10;
	v10 =	vld [tilespmem:s20+$0x4040]  }
0x43: {  	[tilespmem:s20+$0x4030] =	vst v11;
	v11 =	vld [tilespmem:s20+$0x10040];
	v8 =	vadd.f32 v8, v5  }
0x44: {  	[tilespmem:s20+$0x10020] =	vst v4;
	v4 =	vld [tilespmem:s20+$0xC040];
	v3 =	vadd.f32 v3, v5  }
0x45: {  	[tilespmem:s20+$0x8030] =	vst v8;
	v8 =	vld [tilespmem:s20+$0x4050];
	v5 =	vadd.f32 v9, v5  }
0x46: {  	v9 =	vld [tilespmem:s20+$0x8050];
	v2 =	vadd.f32 v2, v6;
	[tilespmem:s20+$0xC030] =	vst v3  }
0x47: {  	v3 =	vadd.f32 v10, v6;
	[tilespmem:s20+$0x10030] =	vst v5;
	v5 =	vld [tilespmem:s20+$0xC050]  }
0x48: {  	v10 =	vld [tilespmem:s20+$0x10050];
	[tilespmem:s20+$0x8040] =	vst v2;
	v2 =	vadd.f32 v11, v6  }
0x49: {  	v63 =	vld [tilespmem:s20+$0x4060];
	[tilespmem:s20+$0x4040] =	vst v3;
	v3 =	vadd.f32 v4, v6  }
0x4a: {  	v6 =	vld [tilespmem:s20+$0x8060];
	[tilespmem:s20+$0x10040] =	vst v2;
	v4 =	vadd.f32 v8, v7  }
0x4b: {  	v8 =	vadd.f32 v9, v7;
	[tilespmem:s20+$0xC040] =	vst v3;
	v3 =	vld [tilespmem:s20+$0xC060]  }
0x4c: {  	v2 =	vld [tilespmem:s20+$0x10060];
	[tilespmem:s20+$0x4050] =	vst v4;
	v5 =	vadd.f32 v5, v7  }
0x4d: {  	[tilespmem:s20+$0x8050] =	vst v8;
	v4 =	vld [tilespmem:s20+$0x4070];
	v7 =	vadd.f32 v10, v7  }
0x4e: {  	v8 =	vadd.f32 v63, v1;
	[tilespmem:s20+$0xC050] =	vst v5;
	v5 =	vld [tilespmem:s20+$0x8070]  }
0x4f: {  	s21 =	simm.s32 $0x200;
	[tilespmem:s20+$0x10050] =	vst v7;
	v7 =	vadd.f32 v6, v1;
	v6 =	vld [tilespmem:s20+$0xC070]  }
.LBB2_3:
0x50: {  	s22 =	sshra.s32 s21, $0x2;
	p0 =	sne.s32 s21, $0xFE00;
	[tilespmem:s20+$0x4060] =	vst v8;
	v3 =	vadd.f32 v3, v1;
	v8 =	vld [tilespmem:s20+$0x10070]  }
0x51: {  	v9 =	vld [tilespmem:s22+$0x0];
	[tilespmem:s20+$0x8060] =	vst v7;
	v1 =	vadd.f32 v2, v1  }
0x52: {  	v2 =	vld [tilespmem:s22+$0x10];
	[tilespmem:s20+$0xC060] =	vst v3;
	v3 =	vadd.f32 v4, v0  }
0x53: {  	v4 =	vld [tilespmem:s22+$0x20];
	[tilespmem:s20+$0x10060] =	vst v1;
	v1 =	vadd.f32 v5, v0  }
0x54: {  	v5 =	vld [tilespmem:s22+$0x30];
	[tilespmem:s20+$0x4070] =	vst v3;
	v3 =	vadd.f32 v6, v0  }
0x55: {  	v6 =	vld [tilespmem:s22+$0x40];
	[tilespmem:s20+$0x8070] =	vst v1;
	v0 =	vadd.f32 v8, v0  }
0x56: {  	v7 =	vld [tilespmem:s22+$0x50];
	[tilespmem:s20+$0xC070] =	vst v3  }
0x57: {  	v1 =	vld [tilespmem:s22+$0x60];
	[tilespmem:s20+$0x10070] =	vst v0;
	s20 =	smov.u32 s22  }
0x58: {  	v0 =	vld [tilespmem:s20+$0x70]  }
0x59: {  	v3 =	vld [tilespmem:s20+$0x4000]  }
0x5a: {  	v8 =	vld [tilespmem:s20+$0x8000]  }
0x5b: {  	v10 =	vld [tilespmem:s20+$0xC000]  }
0x5c: {  	v11 =	vld [tilespmem:s20+$0x10000]  }
0x5d: {  	v12 =	vld [tilespmem:s20+$0x4010]  }
0x5e: {  	v3 =	vadd.f32 v3, v9;
	v13 =	vld [tilespmem:s20+$0x8010]  }
0x5f: {  	v8 =	vadd.f32 v8, v9;
	v14 =	vld [tilespmem:s20+$0xC010]  }
0x60: {  	[tilespmem:s20+$0x4000] =	vst v3;
	v3 =	vadd.f32 v10, v9;
	v10 =	vld [tilespmem:s20+$0x10010]  }
0x61: {  	[tilespmem:s20+$0x8000] =	vst v8;
	v8 =	vadd.f32 v11, v9;
	v9 =	vld [tilespmem:s20+$0x4020]  }
0x62: {  	[tilespmem:s20+$0xC000] =	vst v3;
	v3 =	vadd.f32 v12, v2;
	v11 =	vld [tilespmem:s20+$0x8020]  }
0x63: {  	[tilespmem:s20+$0x10000] =	vst v8;
	v8 =	vadd.f32 v13, v2;
	v12 =	vld [tilespmem:s20+$0xC020]  }
0x64: {  	[tilespmem:s20+$0x4010] =	vst v3;
	v3 =	vadd.f32 v14, v2;
	v13 =	vld [tilespmem:s20+$0x10020]  }
0x65: {  	[tilespmem:s20+$0x8010] =	vst v8;
	v2 =	vadd.f32 v10, v2;
	v8 =	vld [tilespmem:s20+$0x4030]  }
0x66: {  	[tilespmem:s20+$0xC010] =	vst v3;
	v3 =	vadd.f32 v9, v4;
	v9 =	vld [tilespmem:s20+$0x8030]  }
0x67: {  	[tilespmem:s20+$0x10010] =	vst v2;
	v2 =	vadd.f32 v11, v4;
	v10 =	vld [tilespmem:s20+$0xC030]  }
0x68: {  	[tilespmem:s20+$0x4020] =	vst v3;
	v3 =	vadd.f32 v12, v4;
	v11 =	vld [tilespmem:s20+$0x10030]  }
0x69: {  	[tilespmem:s20+$0x8020] =	vst v2;
	v2 =	vadd.f32 v13, v4;
	v4 =	vld [tilespmem:s20+$0x4040]  }
0x6a: {  	[tilespmem:s20+$0xC020] =	vst v3;
	v3 =	vadd.f32 v8, v5;
	v8 =	vld [tilespmem:s20+$0x8040]  }
0x6b: {  	[tilespmem:s20+$0x10020] =	vst v2;
	v2 =	vadd.f32 v9, v5;
	v9 =	vld [tilespmem:s20+$0xC040]  }
0x6c: {  	[tilespmem:s20+$0x4030] =	vst v3;
	v3 =	vadd.f32 v10, v5;
	v10 =	vld [tilespmem:s20+$0x10040]  }
0x6d: {  	[tilespmem:s20+$0x8030] =	vst v2;
	v2 =	vadd.f32 v11, v5;
	v5 =	vld [tilespmem:s20+$0x4050]  }
0x6e: {  	[tilespmem:s20+$0xC030] =	vst v3;
	v3 =	vadd.f32 v4, v6;
	v4 =	vld [tilespmem:s20+$0x8050]  }
0x6f: {  	[tilespmem:s20+$0x10030] =	vst v2;
	v2 =	vadd.f32 v8, v6;
	v8 =	vld [tilespmem:s20+$0xC050]  }
0x70: {  	[tilespmem:s20+$0x4040] =	vst v3;
	v3 =	vadd.f32 v9, v6;
	v9 =	vld [tilespmem:s20+$0x10050]  }
0x71: {  	[tilespmem:s20+$0x8040] =	vst v2;
	v2 =	vadd.f32 v10, v6;
	v6 =	vld [tilespmem:s20+$0x4060]  }
0x72: {  	[tilespmem:s20+$0xC040] =	vst v3;
	v5 =	vadd.f32 v5, v7;
	v10 =	vld [tilespmem:s20+$0x8060]  }
.Ltmp0:
0x73: {  	[tilespmem:s20+$0x10040] =	vst v2;
	v4 =	vadd.f32 v4, v7;
	v3 =	vld [tilespmem:s20+$0xC060];
	(pc) =	sbr.rel @p0 .LBB2_3-.Ltmp0, $4  }
0x74: {  	[tilespmem:s20+$0x4050] =	vst v5;
	v5 =	vadd.f32 v8, v7;
	v2 =	vld [tilespmem:s20+$0x10060]  }
0x75: {  	[tilespmem:s20+$0x8050] =	vst v4;
	v7 =	vadd.f32 v9, v7;
	v4 =	vld [tilespmem:s20+$0x4070]  }
0x76: {  	[tilespmem:s20+$0xC050] =	vst v5;
	v8 =	vadd.f32 v6, v1;
	v5 =	vld [tilespmem:s20+$0x8070]  }
0x77: {  	s21 =	sadd.s32 $0x200, s21;
	[tilespmem:s20+$0x10050] =	vst v7;
	v7 =	vadd.f32 v10, v1;
	v6 =	vld [tilespmem:s20+$0xC070]  }
0x78: {  	[tilespmem:s20+$0x4060] =	vst v8;
	v3 =	vadd.f32 v3, v1;
	v58 =	vld [tilespmem:s20+$0x10070]  }
0x79: {  	[tilespmem:s20+$0x8060] =	vst v7;
	v59 =	vadd.f32 v2, v1  }
0x7a: {  	[tilespmem:s20+$0xC060] =	vst v3;
	v60 =	vadd.f32 v4, v0  }
0x7b: {  	[tilespmem:s20+$0x10060] =	vst v59;
	v61 =	vadd.f32 v5, v0  }
0x7c: {  	[tilespmem:s20+$0x4070] =	vst v60;
	v62 =	vadd.f32 v6, v0  }
0x7d: {  	[tilespmem:s20+$0x8070] =	vst v61;
	v63 =	vadd.f32 v58, v0  }
0x7e: {  	[tilespmem:s20+$0xC070] =	vst v62  }
0x7f: {  	s16 =	sadd.s32 s5, s16;
	[tilespmem:s20+$0x10070] =	vst v63  }
0x80: {  	[hbm4b:s16+s2] =	stream.linear.scatter [tilespmem:s8], [sflag:$0x2], $0x4000, $0x38;
	[tilespmem:$0x14000] =	vst v63  }
0x81: {  	s29 =	sadd.s32 s5, s17  }
0x82: {  	[hbm4b:s29+s2] =	stream.linear.scatter [tilespmem:s9], [sflag:$0x2], $0x4000, $0x38;
	[tilespmem:$0x14000] =	vst v63  }
0x83: {  	s30 =	sadd.s32 s5, s18  }
0x84: {  	[hbm4b:s30+s2] =	stream.linear.scatter [tilespmem:s10], [sflag:$0x2], $0x4000, $0x38;
	[tilespmem:$0x14000] =	vst v63  }
0x85: {  	s31 =	sadd.s32 s5, s19  }
0x86: {  	[hbm4b:s31+s2] =	stream.linear.scatter [tilespmem:s11], [sflag:$0x2], $0x4000, $0x38;
	[tilespmem:$0x14000] =	vst v63  }
0x87: {  	_ =	swait.ge [sflag:s13], $0x4000  }
0x88: {  	[sflag:s13] =	ssyncset.done $0x0  }
0x89: {  	[sflag:s13] =	ssyncadd.s32 $0xFFFFC000  }
0x8a: {  	_ =	swait.ge [sflag:s13], $0x4000  }
0x8b: {  	[sflag:s13] =	ssyncset.done $0x0  }
0x8c: {  	s15 =	sadd.s32 $0x1, s15;
	[sflag:s13] =	ssyncadd.s32 $0xFFFFC000  }
0x8d: {  	p0 =	sne.s32 s15, $0x8;
	_ =	swait.ge [sflag:s13], $0x4000  }
.Ltmp1:
0x8e: {  	[sflag:s13] =	ssyncset.done $0x0;
	(pc) =	sbr.rel @p0 .LBB2_2-.Ltmp1, $4  }
0x8f: {  	[sflag:s13] =	ssyncadd.s32 $0xFFFFC000  }
0x90: {  	_ =	swait.ge [sflag:s13], $0x4000  }
0x91: {  	[sflag:s13] =	ssyncset.done $0x0  }
0x92: {  	[sflag:s13] =	ssyncadd.s32 $0xFFFFC000  }
0x93: {  	s14 =	sadd.s32 $0x1, s14  }
0x94: {  	p0 =	sne.s32 s14, s7  }
.Ltmp2:
0x95: {  	_ = 	snop;
	(pc) =	sbr.rel @p0 .LBB2_1-.Ltmp2, $1  }
0x96: {  	_ =	sdelay $0x3  }
0x97: {  	_ =	sfence.sel $0x180000  }
0x98: {  	[bflag:$0x0] =	sbarrier.arrive $0xFFFF  }
0x99: {  	p0 =	sne.s32 s3, $0x0;
	_ =	strace $0x90000047  }
0x9a: {  	s0 =	sadd.s32 @!p0 $0x100000, s0;
	[bflag:$0x2] =	sbarrier.arrive $0xFFFF  }
0x9b: {  	[sflag:s0] =	ssyncadd.tile.s32 @!p0 $0x1;
	_ =	shalt  }
.Lfunc_end2:
_tile_overlayer_lowered:
.L_overlay_start_2:
0x9c: {  	(tag) =	ssettag $0x2  }
0x9d: {  	s0 =	rddreg [dreg:$0x0];
	s2 =	stileid.u32  }
0x9e: {  	s1 =	rddreg [dreg:$0x1];
	p0 =	sne.s32 s2, $0x0  }
0x9f: {  	s3 =	rddreg [dreg:$0x2];
	[bflag:$0x3] =	sbarrier.arrive $0xFFFF;
	s2 =	simm.s32 @!p0 $0x1C03  }
0xa0: {  	[timem:s3], [sflag:s2] =	dma.local @!p0 [hbm:s0], s1  }
0xa1: {  	s0 =	simm.s32 @!p0 $0x3  }
0xa2: {  	_ =	swait.ge @!p0 [sflag:s0], s1  }
0xa3: {  	s1 =	ssub.s32 @!p0 $0x0, s1;
	[sflag:s0] =	ssyncset.done @!p0 $0x0  }
0xa4: {  	[sflag:s0] =	ssyncadd.s32 @!p0 s1  }
0xa5: {  	[bflag:$0x3] =	sbarrier.arrive $0xFFFF  }
0xa6: {  	_ =	shalt  }

</sc_bundles>
